<compile_context>
chip_gen: v7x
topology: tpu7x:2x2x1
jax: 0.10.2.dev20260603
libtpu: 0.0.44.dev20260713+nightly
codegen_flags: <defaults>
</compile_context>

<pallas_src>
import jax
import jax.numpy as jnp
from jax import lax
from jax.experimental import pallas as pl
from jax.experimental.pallas import tpu as pltpu
from jax.experimental.pallas import tpu_sc as plsc

S = 4096
E = S // 2
F = 256
NC = 2
NS = 16
NW = NC * NS
L = 16
CHUNK = S // NW
STRIPE = 2 * F // NS
BLK = 2048


def _proj_body(x_ref, w_ref, o_ref):
    pm = jnp.dot(x_ref[...], w_ref[...], preferred_element_type=jnp.float32)
    o_ref[0] = pm[:, 0:128]
    o_ref[1] = pm[:, 128:256]


_tc_proj = pl.pallas_call(
    _proj_body,
    grid=(S // BLK,),
    in_specs=[
        pl.BlockSpec((BLK, F), lambda i: (i, 0)),
        pl.BlockSpec((F, F), lambda i: (0, 0)),
    ],
    out_specs=pl.BlockSpec((2, BLK, 128), lambda i: (0, i, 0)),
    out_shape=jax.ShapeDtypeStruct((2, S, 128), jnp.float32),
)


def _sc_body(h_hbm, edges_hbm, out_p, out_cnt,
             e_v, recv_v, h0_v, h1_v, z_v, cnt_v, acc_sh,
             sem_in, sem_x0, sem_x1):
    c = lax.axis_index("c")
    sid = lax.axis_index("s")
    w = c * NS + sid
    e0 = lax.rem(w, NS) * (2 * CHUNK)
    cp_e = pltpu.async_copy(edges_hbm.at[pl.ds(e0, 2 * CHUNK)], e_v, sem_in)
    cp_x0 = pltpu.async_copy(
        h_hbm.at[0, pl.ds(w * CHUNK, CHUNK), :], h0_v, sem_x0)
    cp_x1 = pltpu.async_copy(
        h_hbm.at[1, pl.ds(w * CHUNK, CHUNK), :], h1_v, sem_x1)
    zero = jnp.zeros((L,), jnp.float32)

    def _zero(i, carry):
        for k in range(128 // L):
            z_v[i, pl.ds(k * L, L)] = zero
        return carry
    lax.fori_loop(0, STRIPE, _zero, 0)
    for r in (0, 8):
        for k in range(128 // L):
            cnt_v[r, pl.ds(k * L, L)] = zero
    cp_e.wait()
    col = jnp.where(w < NS, jnp.int32(1), jnp.int32(0))
    cols = jnp.zeros((L,), jnp.int32) + col
    for i in range(CHUNK // L):
        rows = lax.iota(jnp.int32, L) + jnp.int32(i * L)
        g = plsc.load_gather(e_v, [rows * 2 + cols])
        recv_v[0, pl.ds(i * L, L)] = g
        recv_v[1, pl.ds(i * L, L)] = g + jnp.int32(F)
    pltpu.sync_copy(z_v, acc_sh.at[pl.ds(sid * STRIPE, STRIPE), :])
    plsc.subcore_barrier()
    cp_x0.wait()
    pltpu.sync_copy(h0_v, acc_sh.at[recv_v.at[0]], add=True)
    cp_x1.wait()
    pltpu.sync_copy(h1_v, acc_sh.at[recv_v.at[1]], add=True)
    ones = jnp.ones((L,), jnp.float32)
    for i in range(CHUNK // L):
        f = recv_v[0, pl.ds(i * L, L)]
        plsc.addupdate_scatter(
            cnt_v, [(f // 128) * 8, lax.rem(f, 128)], ones)
    pltpu.sync_copy(cnt_v, out_cnt.at[pl.ds(w * 16, 16), :])
    plsc.subcore_barrier()
    pltpu.sync_copy(acc_sh.at[pl.ds(sid * STRIPE, STRIPE), :],
                    out_p.at[c, pl.ds(sid * STRIPE, STRIPE), :])


_sc_scatter = pl.kernel(
    _sc_body,
    out_type=[
        jax.ShapeDtypeStruct((NC, 2 * F, 128), jnp.float32),
        jax.ShapeDtypeStruct((NW * 16, 128), jnp.float32),
    ],
    mesh=plsc.VectorSubcoreMesh(core_axis_name="c", subcore_axis_name="s"),
    compiler_params=pltpu.CompilerParams(
        use_tc_tiling_on_sc=False, needs_layout_passes=False
    ),
    scratch_types=[
        pltpu.VMEM((2 * CHUNK,), jnp.int32),
        pltpu.VMEM((2, CHUNK), jnp.int32),
        pltpu.VMEM((CHUNK, 128), jnp.float32),
        pltpu.VMEM((CHUNK, 128), jnp.float32),
        pltpu.VMEM((STRIPE, 128), jnp.float32),
        pltpu.VMEM((16, 128), jnp.float32),
        pltpu.VMEM_SHARED((2 * F, 128), jnp.float32),
        pltpu.SemaphoreType.DMA,
        pltpu.SemaphoreType.DMA,
        pltpu.SemaphoreType.DMA,
    ],
)


def _tc_body(p_ref, cnt_ref, dk_ref, b_ref, o_ref):
    pm = jnp.concatenate(
        [p_ref[0, 0:F] + p_ref[1, 0:F], p_ref[0, F:2 * F] + p_ref[1, F:2 * F]],
        axis=1)
    r = jnp.maximum(pm, 0.0)
    s = jnp.sum(jnp.reshape(cnt_ref[...], (NW, 16, 128)), axis=0)
    cnt = jnp.concatenate([s[0:1, :], s[8:9, :]], axis=1)
    tot = jnp.sum(r * cnt * dk_ref[0:F, :])
    o_ref[...] = jnp.reshape(tot + b_ref[0], (1, 1))


_tc_finish = pl.pallas_call(
    _tc_body,
    out_shape=jax.ShapeDtypeStruct((1, 1), jnp.float32),
    in_specs=[
        pl.BlockSpec(memory_space=pltpu.MemorySpace.VMEM),
        pl.BlockSpec(memory_space=pltpu.MemorySpace.VMEM),
        pl.BlockSpec(memory_space=pltpu.MemorySpace.VMEM),
        pl.BlockSpec(memory_space=pltpu.MemorySpace.SMEM),
    ],
)


def kernel(x, edges, W, dense_kernel, dense_bias):
    h2 = _tc_proj(x.astype(jnp.float32), W)
    parts, cnts = _sc_scatter(h2, jnp.ravel(edges))
    out = _tc_finish(parts, cnts, dense_kernel, dense_bias)
    return jnp.reshape(out, ())

# --- scband reference (transcript-rebuilt; emitter-appended) ---
"""Pipeline reference for scband-graph-attention-gnn-22548578304603 (READ-ONLY COPY).

The authoritative reference and input builder live on the scoring server;
editing this copy changes nothing except your own understanding.
"""

import jax, jax.numpy as jnp
import numpy as np

S = 4096   # n_samples (must equal 2*n_edges due to segment_sum over messages axis 0)
N = 256    # n_spins / input feature dim
F = 256    # features (node indices must be < F since senders index h_proj's feature axis)
E = 2048   # n_edges (undirected -> 2*E directed messages)


def setup_inputs(seed: int = 0) -> dict:
    key = jax.random.key(seed)
    k1, k2, k3, k4 = jax.random.split(key, 4)
    x = jax.random.normal(k1, (S, N), dtype=jnp.float32)
    edges = jax.random.randint(k2, (E, 2), 0, 256, dtype=jnp.int32)
    # xavier_uniform-style init for W (N, F)
    limit = jnp.sqrt(6.0 / (N + F))
    W = jax.random.uniform(k3, (N, F), dtype=jnp.float32, minval=-limit, maxval=limit)
    # final Dense(1): h_sum has S features after the layer
    dlim = jnp.sqrt(6.0 / (S + 1))
    dense_kernel = jax.random.uniform(k4, (S, 1), dtype=jnp.float32, minval=-dlim, maxval=dlim)
    dense_bias = jnp.zeros((1,), dtype=jnp.float32)
    return {"x": x, "edges": edges, "W": W, "dense_kernel": dense_kernel, "dense_bias": dense_bias}


def reference(x, edges, W, dense_kernel, dense_bias):
    x = x.astype(jnp.float32)
    # GraphAttentionGNN.__call__ with batch=True, layers=1, use_attention=False, output_phase=False
    senders = jnp.concatenate((edges[:, 0], edges[:, 1]))
    receivers = jnp.concatenate((edges[:, 1], edges[:, 0]))
    h = x
    # AttentionGNNLayer
    h_proj = jnp.dot(h, W)                      # (S, F)
    messages = h_proj[:, senders]               # gather along feature axis -> (S, 2E)
    aggregated = jax.ops.segment_sum(messages, receivers, h.shape[0])  # (S, 2E); requires S == 2E
    h = jax.nn.relu(aggregated)
    h_sum = jnp.sum(h, axis=1)                  # (S,)
    log_amp = (jnp.dot(h_sum, dense_kernel) + dense_bias).squeeze(-1)  # scalar
    return log_amp

if __name__ == "__main__":
    import jax
    _d = setup_inputs()
    print(jax.jit(kernel)(*tuple(_d.values())))

</pallas_src>

<mosaic_0001>
#map = affine_map<(d0, d1) -> (0, 0, 0)>
#map1 = affine_map<(d0, d1) -> (0)>
#map2 = affine_map<(d0, d1) -> (0, 0)>
module attributes {stable_mosaic.version = 14 : i64} {
  func.func @_sc_body(%arg0: i32, %arg1: i32, %arg2: memref<2x4096x128xf32, #tpu.memory_space<hbm>>, %arg3: memref<4096xi32, #tpu.memory_space<hbm>>, %arg4: memref<2x512x128xf32, #tpu.memory_space<hbm>>, %arg5: memref<512x128xf32, #tpu.memory_space<hbm>>, %arg6: memref<256xi32, #tpu.memory_space<vmem>>, %arg7: memref<2x128xi32, #tpu.memory_space<vmem>>, %arg8: memref<128x128xf32, #tpu.memory_space<vmem>>, %arg9: memref<128x128xf32, #tpu.memory_space<vmem>>, %arg10: memref<32x128xf32, #tpu.memory_space<vmem>>, %arg11: memref<16x128xf32, #tpu.memory_space<vmem>>, %arg12: memref<512x128xf32, #tpu.memory_space<vmem_shared>>, %arg13: memref<!tpu.dma_semaphore, #tpu.memory_space<semaphore_mem>>, %arg14: memref<!tpu.dma_semaphore, #tpu.memory_space<semaphore_mem>>, %arg15: memref<!tpu.dma_semaphore, #tpu.memory_space<semaphore_mem>>) attributes {dimension_semantics = [#tpu.dimension_semantics<core_parallel>, #tpu.dimension_semantics<subcore_parallel>], iteration_bounds = array<i64: 2, 16>, scalar_prefetch = 0 : i64, scratch_operands = 10 : i64, tpu.core_type = #tpu.core_type<sc_vector_subcore>, window_params = [{transform_indices = #map}, {transform_indices = #map1}, {transform_indices = #map}, {transform_indices = #map2}]} {
    %mul3A = arith.constant 16 : i32
    %mul3A_0 = arith.muli %arg0, %mul3A : i32
    %add3A = arith.addi %mul3A_0, %arg1 : i32
    %rem3A = arith.constant 16 : i32
    %rem3A_1 = arith.remsi %add3A, %rem3A : i32
    %mul3A_2 = arith.constant 256 : i32
    %mul3A_3 = arith.muli %rem3A_1, %mul3A_2 : i32
    %dma_start3A = tpu.memref_slice %arg3[%mul3A_3] : memref<4096xi32, #tpu.memory_space<hbm>> -> memref<256xi32, #tpu.memory_space<hbm>>
    %dma_start3A_4 = tpu.memref_slice %arg3[%mul3A_3] : memref<4096xi32, #tpu.memory_space<hbm>> -> memref<256xi32, #tpu.memory_space<hbm>>
    tpu.enqueue_dma source(%dma_start3A_4 : memref<256xi32, #tpu.memory_space<hbm>>) target(%arg6 : memref<256xi32, #tpu.memory_space<vmem>>) target_semaphore(%arg13 : memref<!tpu.dma_semaphore, #tpu.memory_space<semaphore_mem>>)
    %mul3A_5 = arith.constant 128 : i32
    %mul3A_6 = arith.muli %add3A, %mul3A_5 : i32
    %dma_start3A_7 = arith.constant 0 : i32
    %dma_start3A_8 = arith.constant 0 : i32
    %dma_start3A_9 = tpu.memref_slice %arg2[%dma_start3A_7, %mul3A_6, %dma_start3A_8] : memref<2x4096x128xf32, #tpu.memory_space<hbm>> -> memref<1x128x128xf32, #tpu.memory_space<hbm>>
    %dma_start3A_10 = tpu.memref_squeeze %dma_start3A_9 : memref<1x128x128xf32, #tpu.memory_space<hbm>> -> memref<128x128xf32, #tpu.memory_space<hbm>>
    %dma_start3A_11 = arith.constant 0 : i32
    %dma_start3A_12 = tpu.memref_slice %arg2[%dma_start3A_7, %mul3A_6, %dma_start3A_11] : memref<2x4096x128xf32, #tpu.memory_space<hbm>> -> memref<1x128x128xf32, #tpu.memory_space<hbm>>
    %dma_start3A_13 = tpu.memref_squeeze %dma_start3A_12 : memref<1x128x128xf32, #tpu.memory_space<hbm>> -> memref<128x128xf32, #tpu.memory_space<hbm>>
    tpu.enqueue_dma source(%dma_start3A_13 : memref<128x128xf32, #tpu.memory_space<hbm>>) target(%arg8 : memref<128x128xf32, #tpu.memory_space<vmem>>) target_semaphore(%arg14 : memref<!tpu.dma_semaphore, #tpu.memory_space<semaphore_mem>>)
    %mul3A_14 = arith.constant 128 : i32
    %mul3A_15 = arith.muli %add3A, %mul3A_14 : i32
    %dma_start3A_16 = arith.constant 1 : i32
    %dma_start3A_17 = arith.constant 0 : i32
    %dma_start3A_18 = tpu.memref_slice %arg2[%dma_start3A_16, %mul3A_15, %dma_start3A_17] : memref<2x4096x128xf32, #tpu.memory_space<hbm>> -> memref<1x128x128xf32, #tpu.memory_space<hbm>>
    %dma_start3A_19 = tpu.memref_squeeze %dma_start3A_18 : memref<1x128x128xf32, #tpu.memory_space<hbm>> -> memref<128x128xf32, #tpu.memory_space<hbm>>
    %dma_start3A_20 = arith.constant 0 : i32
    %dma_start3A_21 = tpu.memref_slice %arg2[%dma_start3A_16, %mul3A_15, %dma_start3A_20] : memref<2x4096x128xf32, #tpu.memory_space<hbm>> -> memref<1x128x128xf32, #tpu.memory_space<hbm>>
    %dma_start3A_22 = tpu.memref_squeeze %dma_start3A_21 : memref<1x128x128xf32, #tpu.memory_space<hbm>> -> memref<128x128xf32, #tpu.memory_space<hbm>>
    tpu.enqueue_dma source(%dma_start3A_22 : memref<128x128xf32, #tpu.memory_space<hbm>>) target(%arg9 : memref<128x128xf32, #tpu.memory_space<vmem>>) target_semaphore(%arg15 : memref<!tpu.dma_semaphore, #tpu.memory_space<semaphore_mem>>)
    %broadcast_in_dim3A = arith.constant 0.000000e+00 : f32
    %broadcast_in_dim3A_23 = vector.broadcast %broadcast_in_dim3A : f32 to vector<16xf32>
    %scan3A = arith.constant 0 : i32
    %scan3A_24 = arith.constant 0 : i32
    %scan3A_25 = arith.constant 32 : i32
    %scan3A_26 = arith.addi %scan3A_24, %scan3A_25 : i32
    %scan3A_27 = arith.constant 1 : i32
    scf.for %scan3A_605 = %scan3A_24 to %scan3A_26 step %scan3A_27  : i32 {
      %swap3A_606 = arith.index_cast %scan3A_605 : i32 to index
      %swap3A_607 = arith.constant 0 : index
      %swap3A_608 = tpu.vector_load %arg10[%swap3A_606, %swap3A_607] {strides = array<i32>} : memref<32x128xf32, #tpu.memory_space<vmem>>, vector<16xf32>,
      tpu.vector_store %arg10[%swap3A_606, %swap3A_607], %broadcast_in_dim3A_23 {strides = array<i32>} : memref<32x128xf32, #tpu.memory_space<vmem>>, vector<16xf32>,
      %swap3A_609 = arith.index_cast %scan3A_605 : i32 to index
      %swap3A_610 = arith.constant 16 : index
      %swap3A_611 = tpu.vector_load %arg10[%swap3A_609, %swap3A_610] {strides = array<i32>} : memref<32x128xf32, #tpu.memory_space<vmem>>, vector<16xf32>,
      tpu.vector_store %arg10[%swap3A_609, %swap3A_610], %broadcast_in_dim3A_23 {strides = array<i32>} : memref<32x128xf32, #tpu.memory_space<vmem>>, vector<16xf32>,
      %swap3A_612 = arith.index_cast %scan3A_605 : i32 to index
      %swap3A_613 = arith.constant 32 : index
      %swap3A_614 = tpu.vector_load %arg10[%swap3A_612, %swap3A_613] {strides = array<i32>} : memref<32x128xf32, #tpu.memory_space<vmem>>, vector<16xf32>,
      tpu.vector_store %arg10[%swap3A_612, %swap3A_613], %broadcast_in_dim3A_23 {strides = array<i32>} : memref<32x128xf32, #tpu.memory_space<vmem>>, vector<16xf32>,
      %swap3A_615 = arith.index_cast %scan3A_605 : i32 to index
      %swap3A_616 = arith.constant 48 : index
      %swap3A_617 = tpu.vector_load %arg10[%swap3A_615, %swap3A_616] {strides = array<i32>} : memref<32x128xf32, #tpu.memory_space<vmem>>, vector<16xf32>,
      tpu.vector_store %arg10[%swap3A_615, %swap3A_616], %broadcast_in_dim3A_23 {strides = array<i32>} : memref<32x128xf32, #tpu.memory_space<vmem>>, vector<16xf32>,
      %swap3A_618 = arith.index_cast %scan3A_605 : i32 to index
      %swap3A_619 = arith.constant 64 : index
      %swap3A_620 = tpu.vector_load %arg10[%swap3A_618, %swap3A_619] {strides = array<i32>} : memref<32x128xf32, #tpu.memory_space<vmem>>, vector<16xf32>,
      tpu.vector_store %arg10[%swap3A_618, %swap3A_619], %broadcast_in_dim3A_23 {strides = array<i32>} : memref<32x128xf32, #tpu.memory_space<vmem>>, vector<16xf32>,
      %swap3A_621 = arith.index_cast %scan3A_605 : i32 to index
      %swap3A_622 = arith.constant 80 : index
      %swap3A_623 = tpu.vector_load %arg10[%swap3A_621, %swap3A_622] {strides = array<i32>} : memref<32x128xf32, #tpu.memory_space<vmem>>, vector<16xf32>,
      tpu.vector_store %arg10[%swap3A_621, %swap3A_622], %broadcast_in_dim3A_23 {strides = array<i32>} : memref<32x128xf32, #tpu.memory_space<vmem>>, vector<16xf32>,
      %swap3A_624 = arith.index_cast %scan3A_605 : i32 to index
      %swap3A_625 = arith.constant 96 : index
      %swap3A_626 = tpu.vector_load %arg10[%swap3A_624, %swap3A_625] {strides = array<i32>} : memref<32x128xf32, #tpu.memory_space<vmem>>, vector<16xf32>,
      tpu.vector_store %arg10[%swap3A_624, %swap3A_625], %broadcast_in_dim3A_23 {strides = array<i32>} : memref<32x128xf32, #tpu.memory_space<vmem>>, vector<16xf32>,
      %swap3A_627 = arith.index_cast %scan3A_605 : i32 to index
      %swap3A_628 = arith.constant 112 : index
      %swap3A_629 = tpu.vector_load %arg10[%swap3A_627, %swap3A_628] {strides = array<i32>} : memref<32x128xf32, #tpu.memory_space<vmem>>, vector<16xf32>,
      tpu.vector_store %arg10[%swap3A_627, %swap3A_628], %broadcast_in_dim3A_23 {strides = array<i32>} : memref<32x128xf32, #tpu.memory_space<vmem>>, vector<16xf32>,
    }
    %scan3A_28 = arith.constant 32 : i32
    %swap3A = arith.constant 0 : i32
    %swap3A_29 = arith.index_cast %swap3A : i32 to index
    %swap3A_30 = arith.constant 0 : index
    %swap3A_31 = tpu.vector_load %arg11[%swap3A_29, %swap3A_30] {strides = array<i32>} : memref<16x128xf32, #tpu.memory_space<vmem>>, vector<16xf32>,
    tpu.vector_store %arg11[%swap3A_29, %swap3A_30], %broadcast_in_dim3A_23 {strides = array<i32>} : memref<16x128xf32, #tpu.memory_space<vmem>>, vector<16xf32>,
    %swap3A_32 = arith.constant 0 : i32
    %swap3A_33 = arith.index_cast %swap3A_32 : i32 to index
    %swap3A_34 = arith.constant 16 : index
    %swap3A_35 = tpu.vector_load %arg11[%swap3A_33, %swap3A_34] {strides = array<i32>} : memref<16x128xf32, #tpu.memory_space<vmem>>, vector<16xf32>,
    tpu.vector_store %arg11[%swap3A_33, %swap3A_34], %broadcast_in_dim3A_23 {strides = array<i32>} : memref<16x128xf32, #tpu.memory_space<vmem>>, vector<16xf32>,
    %swap3A_36 = arith.constant 0 : i32
    %swap3A_37 = arith.index_cast %swap3A_36 : i32 to index
    %swap3A_38 = arith.constant 32 : index
    %swap3A_39 = tpu.vector_load %arg11[%swap3A_37, %swap3A_38] {strides = array<i32>} : memref<16x128xf32, #tpu.memory_space<vmem>>, vector<16xf32>,
    tpu.vector_store %arg11[%swap3A_37, %swap3A_38], %broadcast_in_dim3A_23 {strides = array<i32>} : memref<16x128xf32, #tpu.memory_space<vmem>>, vector<16xf32>,
    %swap3A_40 = arith.constant 0 : i32
    %swap3A_41 = arith.index_cast %swap3A_40 : i32 to index
    %swap3A_42 = arith.constant 48 : index
    %swap3A_43 = tpu.vector_load %arg11[%swap3A_41, %swap3A_42] {strides = array<i32>} : memref<16x128xf32, #tpu.memory_space<vmem>>, vector<16xf32>,
    tpu.vector_store %arg11[%swap3A_41, %swap3A_42], %broadcast_in_dim3A_23 {strides = array<i32>} : memref<16x128xf32, #tpu.memory_space<vmem>>, vector<16xf32>,
    %swap3A_44 = arith.constant 0 : i32
    %swap3A_45 = arith.index_cast %swap3A_44 : i32 to index
    %swap3A_46 = arith.constant 64 : index
    %swap3A_47 = tpu.vector_load %arg11[%swap3A_45, %swap3A_46] {strides = array<i32>} : memref<16x128xf32, #tpu.memory_space<vmem>>, vector<16xf32>,
    tpu.vector_store %arg11[%swap3A_45, %swap3A_46], %broadcast_in_dim3A_23 {strides = array<i32>} : memref<16x128xf32, #tpu.memory_space<vmem>>, vector<16xf32>,
    %swap3A_48 = arith.constant 0 : i32
    %swap3A_49 = arith.index_cast %swap3A_48 : i32 to index
    %swap3A_50 = arith.constant 80 : index
    %swap3A_51 = tpu.vector_load %arg11[%swap3A_49, %swap3A_50] {strides = array<i32>} : memref<16x128xf32, #tpu.memory_space<vmem>>, vector<16xf32>,
    tpu.vector_store %arg11[%swap3A_49, %swap3A_50], %broadcast_in_dim3A_23 {strides = array<i32>} : memref<16x128xf32, #tpu.memory_space<vmem>>, vector<16xf32>,
    %swap3A_52 = arith.constant 0 : i32
    %swap3A_53 = arith.index_cast %swap3A_52 : i32 to index
    %swap3A_54 = arith.constant 96 : index
    %swap3A_55 = tpu.vector_load %arg11[%swap3A_53, %swap3A_54] {strides = array<i32>} : memref<16x128xf32, #tpu.memory_space<vmem>>, vector<16xf32>,
    tpu.vector_store %arg11[%swap3A_53, %swap3A_54], %broadcast_in_dim3A_23 {strides = array<i32>} : memref<16x128xf32, #tpu.memory_space<vmem>>, vector<16xf32>,
    %swap3A_56 = arith.constant 0 : i32
    %swap3A_57 = arith.index_cast %swap3A_56 : i32 to index
    %swap3A_58 = arith.constant 112 : index
    %swap3A_59 = tpu.vector_load %arg11[%swap3A_57, %swap3A_58] {strides = array<i32>} : memref<16x128xf32, #tpu.memory_space<vmem>>, vector<16xf32>,
    tpu.vector_store %arg11[%swap3A_57, %swap3A_58], %broadcast_in_dim3A_23 {strides = array<i32>} : memref<16x128xf32, #tpu.memory_space<vmem>>, vector<16xf32>,
    %swap3A_60 = arith.constant 8 : i32
    %swap3A_61 = arith.index_cast %swap3A_60 : i32 to index
    %swap3A_62 = arith.constant 0 : index
    %swap3A_63 = tpu.vector_load %arg11[%swap3A_61, %swap3A_62] {strides = array<i32>} : memref<16x128xf32, #tpu.memory_space<vmem>>, vector<16xf32>,
    tpu.vector_store %arg11[%swap3A_61, %swap3A_62], %broadcast_in_dim3A_23 {strides = array<i32>} : memref<16x128xf32, #tpu.memory_space<vmem>>, vector<16xf32>,
    %swap3A_64 = arith.constant 8 : i32
    %swap3A_65 = arith.index_cast %swap3A_64 : i32 to index
    %swap3A_66 = arith.constant 16 : index
    %swap3A_67 = tpu.vector_load %arg11[%swap3A_65, %swap3A_66] {strides = array<i32>} : memref<16x128xf32, #tpu.memory_space<vmem>>, vector<16xf32>,
    tpu.vector_store %arg11[%swap3A_65, %swap3A_66], %broadcast_in_dim3A_23 {strides = array<i32>} : memref<16x128xf32, #tpu.memory_space<vmem>>, vector<16xf32>,
    %swap3A_68 = arith.constant 8 : i32
    %swap3A_69 = arith.index_cast %swap3A_68 : i32 to index
    %swap3A_70 = arith.constant 32 : index
    %swap3A_71 = tpu.vector_load %arg11[%swap3A_69, %swap3A_70] {strides = array<i32>} : memref<16x128xf32, #tpu.memory_space<vmem>>, vector<16xf32>,
    tpu.vector_store %arg11[%swap3A_69, %swap3A_70], %broadcast_in_dim3A_23 {strides = array<i32>} : memref<16x128xf32, #tpu.memory_space<vmem>>, vector<16xf32>,
    %swap3A_72 = arith.constant 8 : i32
    %swap3A_73 = arith.index_cast %swap3A_72 : i32 to index
    %swap3A_74 = arith.constant 48 : index
    %swap3A_75 = tpu.vector_load %arg11[%swap3A_73, %swap3A_74] {strides = array<i32>} : memref<16x128xf32, #tpu.memory_space<vmem>>, vector<16xf32>,
    tpu.vector_store %arg11[%swap3A_73, %swap3A_74], %broadcast_in_dim3A_23 {strides = array<i32>} : memref<16x128xf32, #tpu.memory_space<vmem>>, vector<16xf32>,
    %swap3A_76 = arith.constant 8 : i32
    %swap3A_77 = arith.index_cast %swap3A_76 : i32 to index
    %swap3A_78 = arith.constant 64 : index
    %swap3A_79 = tpu.vector_load %arg11[%swap3A_77, %swap3A_78] {strides = array<i32>} : memref<16x128xf32, #tpu.memory_space<vmem>>, vector<16xf32>,
    tpu.vector_store %arg11[%swap3A_77, %swap3A_78], %broadcast_in_dim3A_23 {strides = array<i32>} : memref<16x128xf32, #tpu.memory_space<vmem>>, vector<16xf32>,
    %swap3A_80 = arith.constant 8 : i32
    %swap3A_81 = arith.index_cast %swap3A_80 : i32 to index
    %swap3A_82 = arith.constant 80 : index
    %swap3A_83 = tpu.vector_load %arg11[%swap3A_81, %swap3A_82] {strides = array<i32>} : memref<16x128xf32, #tpu.memory_space<vmem>>, vector<16xf32>,
    tpu.vector_store %arg11[%swap3A_81, %swap3A_82], %broadcast_in_dim3A_23 {strides = array<i32>} : memref<16x128xf32, #tpu.memory_space<vmem>>, vector<16xf32>,
    %swap3A_84 = arith.constant 8 : i32
    %swap3A_85 = arith.index_cast %swap3A_84 : i32 to index
    %swap3A_86 = arith.constant 96 : index
    %swap3A_87 = tpu.vector_load %arg11[%swap3A_85, %swap3A_86] {strides = array<i32>} : memref<16x128xf32, #tpu.memory_space<vmem>>, vector<16xf32>,
    tpu.vector_store %arg11[%swap3A_85, %swap3A_86], %broadcast_in_dim3A_23 {strides = array<i32>} : memref<16x128xf32, #tpu.memory_space<vmem>>, vector<16xf32>,
    %swap3A_88 = arith.constant 8 : i32
    %swap3A_89 = arith.index_cast %swap3A_88 : i32 to index
    %swap3A_90 = arith.constant 112 : index
    %swap3A_91 = tpu.vector_load %arg11[%swap3A_89, %swap3A_90] {strides = array<i32>} : memref<16x128xf32, #tpu.memory_space<vmem>>, vector<16xf32>,
    tpu.vector_store %arg11[%swap3A_89, %swap3A_90], %broadcast_in_dim3A_23 {strides = array<i32>} : memref<16x128xf32, #tpu.memory_space<vmem>>, vector<16xf32>,
    %dma_wait3A = tpu.memref_slice %arg3[%mul3A_3] : memref<4096xi32, #tpu.memory_space<hbm>> -> memref<256xi32, #tpu.memory_space<hbm>>
    %dma_wait3A_92 = tpu.memref_slice %arg3[%mul3A_3] : memref<4096xi32, #tpu.memory_space<hbm>> -> memref<256xi32, #tpu.memory_space<hbm>>
    tpu.wait_dma2 semaphore(%arg13 : memref<!tpu.dma_semaphore, #tpu.memory_space<semaphore_mem>>) src(%dma_wait3A_92 : memref<256xi32, #tpu.memory_space<hbm>>) dst(%arg6 : memref<256xi32, #tpu.memory_space<vmem>>)
    %lt3A = arith.constant 16 : i32
    %lt3A_93 = arith.cmpi slt, %add3A, %lt3A : i32
    %jit3A = arith.constant 1 : i32
    %jit3A_94 = arith.constant 0 : i32
    %select_n3A = arith.select %lt3A_93, %jit3A, %jit3A_94 : i32
    %broadcast_in_dim3A_95 = arith.constant 0 : i32
    %broadcast_in_dim3A_96 = vector.broadcast %broadcast_in_dim3A_95 : i32 to vector<16xi32>
    %add3A_97 = vector.broadcast %select_n3A : i32 to vector<16xi32>
    %add3A_98 = arith.addi %broadcast_in_dim3A_96, %add3A_97 : vector<16xi32>
    %iota3A = tpu.iota {dimensions = array<i32: 0>} : vector<16xi32>
    %add3A_99 = arith.constant 0 : i32
    %add3A_100 = vector.broadcast %add3A_99 : i32 to vector<16xi32>
    %add3A_101 = arith.addi %iota3A, %add3A_100 : vector<16xi32>
    %mul3A_102 = arith.constant 2 : i32
    %mul3A_103 = vector.broadcast %mul3A_102 : i32 to vector<16xi32>
    %mul3A_104 = arith.muli %add3A_101, %mul3A_103 : vector<16xi32>
    %add3A_105 = arith.addi %mul3A_104, %add3A_98 : vector<16xi32>
    %gather3A = tpu.vector_load_idx %arg6[%add3A_105] : memref<256xi32, #tpu.memory_space<vmem>>[vector<16xi32>], vector<16xi32>,
    %swap3A_106 = arith.constant 0 : i32
    %swap3A_107 = arith.index_cast %swap3A_106 : i32 to index
    %swap3A_108 = arith.constant 0 : index
    %swap3A_109 = tpu.vector_load %arg7[%swap3A_107, %swap3A_108] {strides = array<i32>} : memref<2x128xi32, #tpu.memory_space<vmem>>, vector<16xi32>,
    tpu.vector_store %arg7[%swap3A_107, %swap3A_108], %gather3A {strides = array<i32>} : memref<2x128xi32, #tpu.memory_space<vmem>>, vector<16xi32>,
    %add3A_110 = arith.constant 256 : i32
    %add3A_111 = vector.broadcast %add3A_110 : i32 to vector<16xi32>
    %add3A_112 = arith.addi %gather3A, %add3A_111 : vector<16xi32>
    %swap3A_113 = arith.constant 1 : i32
    %swap3A_114 = arith.index_cast %swap3A_113 : i32 to index
    %swap3A_115 = arith.constant 0 : index
    %swap3A_116 = tpu.vector_load %arg7[%swap3A_114, %swap3A_115] {strides = array<i32>} : memref<2x128xi32, #tpu.memory_space<vmem>>, vector<16xi32>,
    tpu.vector_store %arg7[%swap3A_114, %swap3A_115], %add3A_112 {strides = array<i32>} : memref<2x128xi32, #tpu.memory_space<vmem>>, vector<16xi32>,
    %iota3A_117 = tpu.iota {dimensions = array<i32: 0>} : vector<16xi32>
    %add3A_118 = arith.constant 16 : i32
    %add3A_119 = vector.broadcast %add3A_118 : i32 to vector<16xi32>
    %add3A_120 = arith.addi %iota3A_117, %add3A_119 : vector<16xi32>
    %mul3A_121 = arith.constant 2 : i32
    %mul3A_122 = vector.broadcast %mul3A_121 : i32 to vector<16xi32>
    %mul3A_123 = arith.muli %add3A_120, %mul3A_122 : vector<16xi32>
    %add3A_124 = arith.addi %mul3A_123, %add3A_98 : vector<16xi32>
    %gather3A_125 = tpu.vector_load_idx %arg6[%add3A_124] : memref<256xi32, #tpu.memory_space<vmem>>[vector<16xi32>], vector<16xi32>,
    %swap3A_126 = arith.constant 0 : i32
    %swap3A_127 = arith.index_cast %swap3A_126 : i32 to index
    %swap3A_128 = arith.constant 16 : index
    %swap3A_129 = tpu.vector_load %arg7[%swap3A_127, %swap3A_128] {strides = array<i32>} : memref<2x128xi32, #tpu.memory_space<vmem>>, vector<16xi32>,
    tpu.vector_store %arg7[%swap3A_127, %swap3A_128], %gather3A_125 {strides = array<i32>} : memref<2x128xi32, #tpu.memory_space<vmem>>, vector<16xi32>,
    %add3A_130 = arith.constant 256 : i32
    %add3A_131 = vector.broadcast %add3A_130 : i32 to vector<16xi32>
    %add3A_132 = arith.addi %gather3A_125, %add3A_131 : vector<16xi32>
    %swap3A_133 = arith.constant 1 : i32
    %swap3A_134 = arith.index_cast %swap3A_133 : i32 to index
    %swap3A_135 = arith.constant 16 : index
    %swap3A_136 = tpu.vector_load %arg7[%swap3A_134, %swap3A_135] {strides = array<i32>} : memref<2x128xi32, #tpu.memory_space<vmem>>, vector<16xi32>,
    tpu.vector_store %arg7[%swap3A_134, %swap3A_135], %add3A_132 {strides = array<i32>} : memref<2x128xi32, #tpu.memory_space<vmem>>, vector<16xi32>,
    %iota3A_137 = tpu.iota {dimensions = array<i32: 0>} : vector<16xi32>
    %add3A_138 = arith.constant 32 : i32
    %add3A_139 = vector.broadcast %add3A_138 : i32 to vector<16xi32>
    %add3A_140 = arith.addi %iota3A_137, %add3A_139 : vector<16xi32>
    %mul3A_141 = arith.constant 2 : i32
    %mul3A_142 = vector.broadcast %mul3A_141 : i32 to vector<16xi32>
    %mul3A_143 = arith.muli %add3A_140, %mul3A_142 : vector<16xi32>
    %add3A_144 = arith.addi %mul3A_143, %add3A_98 : vector<16xi32>
    %gather3A_145 = tpu.vector_load_idx %arg6[%add3A_144] : memref<256xi32, #tpu.memory_space<vmem>>[vector<16xi32>], vector<16xi32>,
    %swap3A_146 = arith.constant 0 : i32
    %swap3A_147 = arith.index_cast %swap3A_146 : i32 to index
    %swap3A_148 = arith.constant 32 : index
    %swap3A_149 = tpu.vector_load %arg7[%swap3A_147, %swap3A_148] {strides = array<i32>} : memref<2x128xi32, #tpu.memory_space<vmem>>, vector<16xi32>,
    tpu.vector_store %arg7[%swap3A_147, %swap3A_148], %gather3A_145 {strides = array<i32>} : memref<2x128xi32, #tpu.memory_space<vmem>>, vector<16xi32>,
    %add3A_150 = arith.constant 256 : i32
    %add3A_151 = vector.broadcast %add3A_150 : i32 to vector<16xi32>
    %add3A_152 = arith.addi %gather3A_145, %add3A_151 : vector<16xi32>
    %swap3A_153 = arith.constant 1 : i32
    %swap3A_154 = arith.index_cast %swap3A_153 : i32 to index
    %swap3A_155 = arith.constant 32 : index
    %swap3A_156 = tpu.vector_load %arg7[%swap3A_154, %swap3A_155] {strides = array<i32>} : memref<2x128xi32, #tpu.memory_space<vmem>>, vector<16xi32>,
    tpu.vector_store %arg7[%swap3A_154, %swap3A_155], %add3A_152 {strides = array<i32>} : memref<2x128xi32, #tpu.memory_space<vmem>>, vector<16xi32>,
    %iota3A_157 = tpu.iota {dimensions = array<i32: 0>} : vector<16xi32>
    %add3A_158 = arith.constant 48 : i32
    %add3A_159 = vector.broadcast %add3A_158 : i32 to vector<16xi32>
    %add3A_160 = arith.addi %iota3A_157, %add3A_159 : vector<16xi32>
    %mul3A_161 = arith.constant 2 : i32
    %mul3A_162 = vector.broadcast %mul3A_161 : i32 to vector<16xi32>
    %mul3A_163 = arith.muli %add3A_160, %mul3A_162 : vector<16xi32>
    %add3A_164 = arith.addi %mul3A_163, %add3A_98 : vector<16xi32>
    %gather3A_165 = tpu.vector_load_idx %arg6[%add3A_164] : memref<256xi32, #tpu.memory_space<vmem>>[vector<16xi32>], vector<16xi32>,
    %swap3A_166 = arith.constant 0 : i32
    %swap3A_167 = arith.index_cast %swap3A_166 : i32 to index
    %swap3A_168 = arith.constant 48 : index
    %swap3A_169 = tpu.vector_load %arg7[%swap3A_167, %swap3A_168] {strides = array<i32>} : memref<2x128xi32, #tpu.memory_space<vmem>>, vector<16xi32>,
    tpu.vector_store %arg7[%swap3A_167, %swap3A_168], %gather3A_165 {strides = array<i32>} : memref<2x128xi32, #tpu.memory_space<vmem>>, vector<16xi32>,
    %add3A_170 = arith.constant 256 : i32
    %add3A_171 = vector.broadcast %add3A_170 : i32 to vector<16xi32>
    %add3A_172 = arith.addi %gather3A_165, %add3A_171 : vector<16xi32>
    %swap3A_173 = arith.constant 1 : i32
    %swap3A_174 = arith.index_cast %swap3A_173 : i32 to index
    %swap3A_175 = arith.constant 48 : index
    %swap3A_176 = tpu.vector_load %arg7[%swap3A_174, %swap3A_175] {strides = array<i32>} : memref<2x128xi32, #tpu.memory_space<vmem>>, vector<16xi32>,
    tpu.vector_store %arg7[%swap3A_174, %swap3A_175], %add3A_172 {strides = array<i32>} : memref<2x128xi32, #tpu.memory_space<vmem>>, vector<16xi32>,
    %iota3A_177 = tpu.iota {dimensions = array<i32: 0>} : vector<16xi32>
    %add3A_178 = arith.constant 64 : i32
    %add3A_179 = vector.broadcast %add3A_178 : i32 to vector<16xi32>
    %add3A_180 = arith.addi %iota3A_177, %add3A_179 : vector<16xi32>
    %mul3A_181 = arith.constant 2 : i32
    %mul3A_182 = vector.broadcast %mul3A_181 : i32 to vector<16xi32>
    %mul3A_183 = arith.muli %add3A_180, %mul3A_182 : vector<16xi32>
    %add3A_184 = arith.addi %mul3A_183, %add3A_98 : vector<16xi32>
    %gather3A_185 = tpu.vector_load_idx %arg6[%add3A_184] : memref<256xi32, #tpu.memory_space<vmem>>[vector<16xi32>], vector<16xi32>,
    %swap3A_186 = arith.constant 0 : i32
    %swap3A_187 = arith.index_cast %swap3A_186 : i32 to index
    %swap3A_188 = arith.constant 64 : index
    %swap3A_189 = tpu.vector_load %arg7[%swap3A_187, %swap3A_188] {strides = array<i32>} : memref<2x128xi32, #tpu.memory_space<vmem>>, vector<16xi32>,
    tpu.vector_store %arg7[%swap3A_187, %swap3A_188], %gather3A_185 {strides = array<i32>} : memref<2x128xi32, #tpu.memory_space<vmem>>, vector<16xi32>,
    %add3A_190 = arith.constant 256 : i32
    %add3A_191 = vector.broadcast %add3A_190 : i32 to vector<16xi32>
    %add3A_192 = arith.addi %gather3A_185, %add3A_191 : vector<16xi32>
    %swap3A_193 = arith.constant 1 : i32
    %swap3A_194 = arith.index_cast %swap3A_193 : i32 to index
    %swap3A_195 = arith.constant 64 : index
    %swap3A_196 = tpu.vector_load %arg7[%swap3A_194, %swap3A_195] {strides = array<i32>} : memref<2x128xi32, #tpu.memory_space<vmem>>, vector<16xi32>,
    tpu.vector_store %arg7[%swap3A_194, %swap3A_195], %add3A_192 {strides = array<i32>} : memref<2x128xi32, #tpu.memory_space<vmem>>, vector<16xi32>,
    %iota3A_197 = tpu.iota {dimensions = array<i32: 0>} : vector<16xi32>
    %add3A_198 = arith.constant 80 : i32
    %add3A_199 = vector.broadcast %add3A_198 : i32 to vector<16xi32>
    %add3A_200 = arith.addi %iota3A_197, %add3A_199 : vector<16xi32>
    %mul3A_201 = arith.constant 2 : i32
    %mul3A_202 = vector.broadcast %mul3A_201 : i32 to vector<16xi32>
    %mul3A_203 = arith.muli %add3A_200, %mul3A_202 : vector<16xi32>
    %add3A_204 = arith.addi %mul3A_203, %add3A_98 : vector<16xi32>
    %gather3A_205 = tpu.vector_load_idx %arg6[%add3A_204] : memref<256xi32, #tpu.memory_space<vmem>>[vector<16xi32>], vector<16xi32>,
    %swap3A_206 = arith.constant 0 : i32
    %swap3A_207 = arith.index_cast %swap3A_206 : i32 to index
    %swap3A_208 = arith.constant 80 : index
    %swap3A_209 = tpu.vector_load %arg7[%swap3A_207, %swap3A_208] {strides = array<i32>} : memref<2x128xi32, #tpu.memory_space<vmem>>, vector<16xi32>,
    tpu.vector_store %arg7[%swap3A_207, %swap3A_208], %gather3A_205 {strides = array<i32>} : memref<2x128xi32, #tpu.memory_space<vmem>>, vector<16xi32>,
    %add3A_210 = arith.constant 256 : i32
    %add3A_211 = vector.broadcast %add3A_210 : i32 to vector<16xi32>
    %add3A_212 = arith.addi %gather3A_205, %add3A_211 : vector<16xi32>
    %swap3A_213 = arith.constant 1 : i32
    %swap3A_214 = arith.index_cast %swap3A_213 : i32 to index
    %swap3A_215 = arith.constant 80 : index
    %swap3A_216 = tpu.vector_load %arg7[%swap3A_214, %swap3A_215] {strides = array<i32>} : memref<2x128xi32, #tpu.memory_space<vmem>>, vector<16xi32>,
    tpu.vector_store %arg7[%swap3A_214, %swap3A_215], %add3A_212 {strides = array<i32>} : memref<2x128xi32, #tpu.memory_space<vmem>>, vector<16xi32>,
    %iota3A_217 = tpu.iota {dimensions = array<i32: 0>} : vector<16xi32>
    %add3A_218 = arith.constant 96 : i32
    %add3A_219 = vector.broadcast %add3A_218 : i32 to vector<16xi32>
    %add3A_220 = arith.addi %iota3A_217, %add3A_219 : vector<16xi32>
    %mul3A_221 = arith.constant 2 : i32
    %mul3A_222 = vector.broadcast %mul3A_221 : i32 to vector<16xi32>
    %mul3A_223 = arith.muli %add3A_220, %mul3A_222 : vector<16xi32>
    %add3A_224 = arith.addi %mul3A_223, %add3A_98 : vector<16xi32>
    %gather3A_225 = tpu.vector_load_idx %arg6[%add3A_224] : memref<256xi32, #tpu.memory_space<vmem>>[vector<16xi32>], vector<16xi32>,
    %swap3A_226 = arith.constant 0 : i32
    %swap3A_227 = arith.index_cast %swap3A_226 : i32 to index
    %swap3A_228 = arith.constant 96 : index
    %swap3A_229 = tpu.vector_load %arg7[%swap3A_227, %swap3A_228] {strides = array<i32>} : memref<2x128xi32, #tpu.memory_space<vmem>>, vector<16xi32>,
    tpu.vector_store %arg7[%swap3A_227, %swap3A_228], %gather3A_225 {strides = array<i32>} : memref<2x128xi32, #tpu.memory_space<vmem>>, vector<16xi32>,
    %add3A_230 = arith.constant 256 : i32
    %add3A_231 = vector.broadcast %add3A_230 : i32 to vector<16xi32>
    %add3A_232 = arith.addi %gather3A_225, %add3A_231 : vector<16xi32>
    %swap3A_233 = arith.constant 1 : i32
    %swap3A_234 = arith.index_cast %swap3A_233 : i32 to index
    %swap3A_235 = arith.constant 96 : index
    %swap3A_236 = tpu.vector_load %arg7[%swap3A_234, %swap3A_235] {strides = array<i32>} : memref<2x128xi32, #tpu.memory_space<vmem>>, vector<16xi32>,
    tpu.vector_store %arg7[%swap3A_234, %swap3A_235], %add3A_232 {strides = array<i32>} : memref<2x128xi32, #tpu.memory_space<vmem>>, vector<16xi32>,
    %iota3A_237 = tpu.iota {dimensions = array<i32: 0>} : vector<16xi32>
    %add3A_238 = arith.constant 112 : i32
    %add3A_239 = vector.broadcast %add3A_238 : i32 to vector<16xi32>
    %add3A_240 = arith.addi %iota3A_237, %add3A_239 : vector<16xi32>
    %mul3A_241 = arith.constant 2 : i32
    %mul3A_242 = vector.broadcast %mul3A_241 : i32 to vector<16xi32>
    %mul3A_243 = arith.muli %add3A_240, %mul3A_242 : vector<16xi32>
    %add3A_244 = arith.addi %mul3A_243, %add3A_98 : vector<16xi32>
    %gather3A_245 = tpu.vector_load_idx %arg6[%add3A_244] : memref<256xi32, #tpu.memory_space<vmem>>[vector<16xi32>], vector<16xi32>,
    %swap3A_246 = arith.constant 0 : i32
    %swap3A_247 = arith.index_cast %swap3A_246 : i32 to index
    %swap3A_248 = arith.constant 112 : index
    %swap3A_249 = tpu.vector_load %arg7[%swap3A_247, %swap3A_248] {strides = array<i32>} : memref<2x128xi32, #tpu.memory_space<vmem>>, vector<16xi32>,
    tpu.vector_store %arg7[%swap3A_247, %swap3A_248], %gather3A_245 {strides = array<i32>} : memref<2x128xi32, #tpu.memory_space<vmem>>, vector<16xi32>,
    %add3A_250 = arith.constant 256 : i32
    %add3A_251 = vector.broadcast %add3A_250 : i32 to vector<16xi32>
    %add3A_252 = arith.addi %gather3A_245, %add3A_251 : vector<16xi32>
    %swap3A_253 = arith.constant 1 : i32
    %swap3A_254 = arith.index_cast %swap3A_253 : i32 to index
    %swap3A_255 = arith.constant 112 : index
    %swap3A_256 = tpu.vector_load %arg7[%swap3A_254, %swap3A_255] {strides = array<i32>} : memref<2x128xi32, #tpu.memory_space<vmem>>, vector<16xi32>,
    tpu.vector_store %arg7[%swap3A_254, %swap3A_255], %add3A_252 {strides = array<i32>} : memref<2x128xi32, #tpu.memory_space<vmem>>, vector<16xi32>,
    %mul3A_257 = arith.constant 32 : i32
    %mul3A_258 = arith.muli %arg1, %mul3A_257 : i32
    "tpu.region"() ({
      %run_scoped3A_605 = tpu.sem_alloc : memref<!tpu.dma_semaphore, #tpu.memory_space<semaphore_mem>>
      %dma_start3A_606 = arith.constant 0 : i32
      %dma_start3A_607 = tpu.memref_slice %arg12[%mul3A_258, %dma_start3A_606] : memref<512x128xf32, #tpu.memory_space<vmem_shared>> -> memref<32x128xf32, #tpu.memory_space<vmem_shared>>
      %dma_start3A_608 = arith.constant 0 : i32
      %dma_start3A_609 = tpu.memref_slice %arg12[%mul3A_258, %dma_start3A_608] : memref<512x128xf32, #tpu.memory_space<vmem_shared>> -> memref<32x128xf32, #tpu.memory_space<vmem_shared>>
      tpu.enqueue_dma source(%arg10 : memref<32x128xf32, #tpu.memory_space<vmem>>) target(%dma_start3A_609 : memref<32x128xf32, #tpu.memory_space<vmem_shared>>) target_semaphore(%run_scoped3A_605 : memref<!tpu.dma_semaphore, #tpu.memory_space<semaphore_mem>>)
      %dma_wait3A_610 = arith.constant 0 : i32
      %dma_wait3A_611 = tpu.memref_slice %arg12[%mul3A_258, %dma_wait3A_610] : memref<512x128xf32, #tpu.memory_space<vmem_shared>> -> memref<32x128xf32, #tpu.memory_space<vmem_shared>>
      %dma_wait3A_612 = arith.constant 0 : i32
      %dma_wait3A_613 = tpu.memref_slice %arg12[%mul3A_258, %dma_wait3A_612] : memref<512x128xf32, #tpu.memory_space<vmem_shared>> -> memref<32x128xf32, #tpu.memory_space<vmem_shared>>
      tpu.wait_dma2 semaphore(%run_scoped3A_605 : memref<!tpu.dma_semaphore, #tpu.memory_space<semaphore_mem>>) src(%arg10 : memref<32x128xf32, #tpu.memory_space<vmem>>) dst(%dma_wait3A_613 : memref<32x128xf32, #tpu.memory_space<vmem_shared>>)
      tpu.yield
    }) : () -> ()
    %barrier3A = arith.constant 0 : index
    tpu.barrier barrier_id(%barrier3A)
    %dma_wait3A_259 = arith.constant 0 : i32
    %dma_wait3A_260 = arith.constant 0 : i32
    %dma_wait3A_261 = tpu.memref_slice %arg2[%dma_wait3A_259, %mul3A_6, %dma_wait3A_260] : memref<2x4096x128xf32, #tpu.memory_space<hbm>> -> memref<1x128x128xf32, #tpu.memory_space<hbm>>
    %dma_wait3A_262 = tpu.memref_squeeze %dma_wait3A_261 : memref<1x128x128xf32, #tpu.memory_space<hbm>> -> memref<128x128xf32, #tpu.memory_space<hbm>>
    %dma_wait3A_263 = arith.constant 0 : i32
    %dma_wait3A_264 = tpu.memref_slice %arg2[%dma_wait3A_259, %mul3A_6, %dma_wait3A_263] : memref<2x4096x128xf32, #tpu.memory_space<hbm>> -> memref<1x128x128xf32, #tpu.memory_space<hbm>>
    %dma_wait3A_265 = tpu.memref_squeeze %dma_wait3A_264 : memref<1x128x128xf32, #tpu.memory_space<hbm>> -> memref<128x128xf32, #tpu.memory_space<hbm>>
    tpu.wait_dma2 semaphore(%arg14 : memref<!tpu.dma_semaphore, #tpu.memory_space<semaphore_mem>>) src(%dma_wait3A_265 : memref<128x128xf32, #tpu.memory_space<hbm>>) dst(%arg8 : memref<128x128xf32, #tpu.memory_space<vmem>>)
    %run_scoped3A = arith.constant 0 : i32
    "tpu.region"() ({
      %run_scoped3A_605 = tpu.sem_alloc : memref<!tpu.dma_semaphore, #tpu.memory_space<semaphore_mem>>
      %dma_start3A_606 = arith.constant 0 : i32
      %dma_start3A_607 = tpu.memref_slice %arg7[%run_scoped3A, %dma_start3A_606] : memref<2x128xi32, #tpu.memory_space<vmem>> -> memref<1x128xi32, #tpu.memory_space<vmem>>
      %dma_start3A_608 = tpu.memref_squeeze %dma_start3A_607 : memref<1x128xi32, #tpu.memory_space<vmem>> -> memref<128xi32, #tpu.memory_space<vmem>>
      %dma_start3A_609 = arith.constant 0 : i32
      %dma_start3A_610 = arith.constant 0 : i32
      %dma_start3A_611 = tpu.memref_slice %arg12[%dma_start3A_609, %dma_start3A_610] : memref<512x128xf32, #tpu.memory_space<vmem_shared>> -> memref<512x128xf32, #tpu.memory_space<vmem_shared>>
      tpu.enqueue_indirect_dma source(%arg8 : memref<128x128xf32, #tpu.memory_space<vmem>>) target(%dma_start3A_611 : memref<512x128xf32, #tpu.memory_space<vmem_shared>>) offsets(%dma_start3A_608 : memref<128xi32, #tpu.memory_space<vmem>>) semaphore(%run_scoped3A_605 : memref<!tpu.dma_semaphore, #tpu.memory_space<semaphore_mem>>) {add = true}
      %dma_wait3A_612 = arith.constant 0 : i32
      %dma_wait3A_613 = tpu.memref_slice %arg7[%run_scoped3A, %dma_wait3A_612] : memref<2x128xi32, #tpu.memory_space<vmem>> -> memref<1x128xi32, #tpu.memory_space<vmem>>
      %dma_wait3A_614 = tpu.memref_squeeze %dma_wait3A_613 : memref<1x128xi32, #tpu.memory_space<vmem>> -> memref<128xi32, #tpu.memory_space<vmem>>
      %dma_wait3A_615 = arith.constant 0 : i32
      %dma_wait3A_616 = arith.constant 0 : i32
      %dma_wait3A_617 = tpu.memref_slice %arg12[%dma_wait3A_615, %dma_wait3A_616] : memref<512x128xf32, #tpu.memory_space<vmem_shared>> -> memref<512x128xf32, #tpu.memory_space<vmem_shared>>
      tpu.wait_indirect_dma semaphore(%run_scoped3A_605 : memref<!tpu.dma_semaphore, #tpu.memory_space<semaphore_mem>>) src(%arg8 : memref<128x128xf32, #tpu.memory_space<vmem>>) dst(%dma_wait3A_617 : memref<512x128xf32, #tpu.memory_space<vmem_shared>>)
      tpu.yield
    }) : () -> ()
    %dma_wait3A_266 = arith.constant 1 : i32
    %dma_wait3A_267 = arith.constant 0 : i32
    %dma_wait3A_268 = tpu.memref_slice %arg2[%dma_wait3A_266, %mul3A_15, %dma_wait3A_267] : memref<2x4096x128xf32, #tpu.memory_space<hbm>> -> memref<1x128x128xf32, #tpu.memory_space<hbm>>
    %dma_wait3A_269 = tpu.memref_squeeze %dma_wait3A_268 : memref<1x128x128xf32, #tpu.memory_space<hbm>> -> memref<128x128xf32, #tpu.memory_space<hbm>>
    %dma_wait3A_270 = arith.constant 0 : i32
    %dma_wait3A_271 = tpu.memref_slice %arg2[%dma_wait3A_266, %mul3A_15, %dma_wait3A_270] : memref<2x4096x128xf32, #tpu.memory_space<hbm>> -> memref<1x128x128xf32, #tpu.memory_space<hbm>>
    %dma_wait3A_272 = tpu.memref_squeeze %dma_wait3A_271 : memref<1x128x128xf32, #tpu.memory_space<hbm>> -> memref<128x128xf32, #tpu.memory_space<hbm>>
    tpu.wait_dma2 semaphore(%arg15 : memref<!tpu.dma_semaphore, #tpu.memory_space<semaphore_mem>>) src(%dma_wait3A_272 : memref<128x128xf32, #tpu.memory_space<hbm>>) dst(%arg9 : memref<128x128xf32, #tpu.memory_space<vmem>>)
    %run_scoped3A_273 = arith.constant 1 : i32
    "tpu.region"() ({
      %run_scoped3A_605 = tpu.sem_alloc : memref<!tpu.dma_semaphore, #tpu.memory_space<semaphore_mem>>
      %dma_start3A_606 = arith.constant 0 : i32
      %dma_start3A_607 = tpu.memref_slice %arg7[%run_scoped3A_273, %dma_start3A_606] : memref<2x128xi32, #tpu.memory_space<vmem>> -> memref<1x128xi32, #tpu.memory_space<vmem>>
      %dma_start3A_608 = tpu.memref_squeeze %dma_start3A_607 : memref<1x128xi32, #tpu.memory_space<vmem>> -> memref<128xi32, #tpu.memory_space<vmem>>
      %dma_start3A_609 = arith.constant 0 : i32
      %dma_start3A_610 = arith.constant 0 : i32
      %dma_start3A_611 = tpu.memref_slice %arg12[%dma_start3A_609, %dma_start3A_610] : memref<512x128xf32, #tpu.memory_space<vmem_shared>> -> memref<512x128xf32, #tpu.memory_space<vmem_shared>>
      tpu.enqueue_indirect_dma source(%arg9 : memref<128x128xf32, #tpu.memory_space<vmem>>) target(%dma_start3A_611 : memref<512x128xf32, #tpu.memory_space<vmem_shared>>) offsets(%dma_start3A_608 : memref<128xi32, #tpu.memory_space<vmem>>) semaphore(%run_scoped3A_605 : memref<!tpu.dma_semaphore, #tpu.memory_space<semaphore_mem>>) {add = true}
      %dma_wait3A_612 = arith.constant 0 : i32
      %dma_wait3A_613 = tpu.memref_slice %arg7[%run_scoped3A_273, %dma_wait3A_612] : memref<2x128xi32, #tpu.memory_space<vmem>> -> memref<1x128xi32, #tpu.memory_space<vmem>>
      %dma_wait3A_614 = tpu.memref_squeeze %dma_wait3A_613 : memref<1x128xi32, #tpu.memory_space<vmem>> -> memref<128xi32, #tpu.memory_space<vmem>>
      %dma_wait3A_615 = arith.constant 0 : i32
      %dma_wait3A_616 = arith.constant 0 : i32
      %dma_wait3A_617 = tpu.memref_slice %arg12[%dma_wait3A_615, %dma_wait3A_616] : memref<512x128xf32, #tpu.memory_space<vmem_shared>> -> memref<512x128xf32, #tpu.memory_space<vmem_shared>>
      tpu.wait_indirect_dma semaphore(%run_scoped3A_605 : memref<!tpu.dma_semaphore, #tpu.memory_space<semaphore_mem>>) src(%arg9 : memref<128x128xf32, #tpu.memory_space<vmem>>) dst(%dma_wait3A_617 : memref<512x128xf32, #tpu.memory_space<vmem_shared>>)
      tpu.yield
    }) : () -> ()
    %broadcast_in_dim3A_274 = arith.constant 1.000000e+00 : f32
    %broadcast_in_dim3A_275 = vector.broadcast %broadcast_in_dim3A_274 : f32 to vector<16xf32>
    %get3A = arith.constant 0 : i32
    %get3A_276 = arith.index_cast %get3A : i32 to index
    %get3A_277 = arith.constant 0 : index
    %get3A_278 = tpu.vector_load %arg7[%get3A_276, %get3A_277] {strides = array<i32>} : memref<2x128xi32, #tpu.memory_space<vmem>>, vector<16xi32>,
    %jit3A_279 = arith.constant 128 : i32
    %div3A = vector.broadcast %jit3A_279 : i32 to vector<16xi32>
    %div3A_280 = arith.divsi %get3A_278, %div3A : vector<16xi32>
    %sign3A = arith.constant 0 : i32
    %sign3A_281 = vector.broadcast %sign3A : i32 to vector<16xi32>
    %sign3A_282 = arith.cmpi sgt, %get3A_278, %sign3A_281 : vector<16xi32>
    %sign3A_283 = arith.extui %sign3A_282 : vector<16xi1> to vector<16xi32>
    %sign3A_284 = arith.constant 0 : i32
    %sign3A_285 = vector.broadcast %sign3A_284 : i32 to vector<16xi32>
    %sign3A_286 = arith.cmpi slt, %get3A_278, %sign3A_285 : vector<16xi32>
    %sign3A_287 = arith.extui %sign3A_286 : vector<16xi1> to vector<16xi32>
    %sign3A_288 = arith.subi %sign3A_283, %sign3A_287 : vector<16xi32>
    %sign3A_289 = arith.constant 0 : i32
    %sign3A_290 = arith.cmpi sgt, %jit3A_279, %sign3A_289 : i32
    %sign3A_291 = arith.extui %sign3A_290 : i1 to i32
    %sign3A_292 = arith.constant 0 : i32
    %sign3A_293 = arith.cmpi slt, %jit3A_279, %sign3A_292 : i32
    %sign3A_294 = arith.extui %sign3A_293 : i1 to i32
    %sign3A_295 = arith.subi %sign3A_291, %sign3A_294 : i32
    %ne3A = vector.broadcast %sign3A_295 : i32 to vector<16xi32>
    %ne3A_296 = arith.cmpi ne, %sign3A_288, %ne3A : vector<16xi32>
    %rem3A_297 = vector.broadcast %jit3A_279 : i32 to vector<16xi32>
    %rem3A_298 = arith.remsi %get3A_278, %rem3A_297 : vector<16xi32>
    %ne3A_299 = arith.constant 0 : i32
    %ne3A_300 = vector.broadcast %ne3A_299 : i32 to vector<16xi32>
    %ne3A_301 = arith.cmpi ne, %rem3A_298, %ne3A_300 : vector<16xi32>
    %and3A = arith.andi %ne3A_296, %ne3A_301 : vector<16xi1>
    %sub3A = arith.constant 1 : i32
    %sub3A_302 = vector.broadcast %sub3A : i32 to vector<16xi32>
    %sub3A_303 = arith.subi %div3A_280, %sub3A_302 : vector<16xi32>
    %select_n3A_304 = arith.select %and3A, %sub3A_303, %div3A_280 : vector<16xi1>, vector<16xi32>
    %mul3A_305 = arith.constant 8 : i32
    %mul3A_306 = vector.broadcast %mul3A_305 : i32 to vector<16xi32>
    %mul3A_307 = arith.muli %select_n3A_304, %mul3A_306 : vector<16xi32>
    %rem3A_308 = arith.constant 128 : i32
    %rem3A_309 = vector.broadcast %rem3A_308 : i32 to vector<16xi32>
    %rem3A_310 = arith.remsi %get3A_278, %rem3A_309 : vector<16xi32>
    tpu.vector_store_idx %arg11[%mul3A_307, %rem3A_310], %broadcast_in_dim3A_275 {add = true} : memref<16x128xf32, #tpu.memory_space<vmem>>[vector<16xi32>, vector<16xi32>], vector<16xf32>,
    %get3A_311 = arith.constant 0 : i32
    %get3A_312 = arith.index_cast %get3A_311 : i32 to index
    %get3A_313 = arith.constant 16 : index
    %get3A_314 = tpu.vector_load %arg7[%get3A_312, %get3A_313] {strides = array<i32>} : memref<2x128xi32, #tpu.memory_space<vmem>>, vector<16xi32>,
    %jit3A_315 = arith.constant 128 : i32
    %div3A_316 = vector.broadcast %jit3A_315 : i32 to vector<16xi32>
    %div3A_317 = arith.divsi %get3A_314, %div3A_316 : vector<16xi32>
    %sign3A_318 = arith.constant 0 : i32
    %sign3A_319 = vector.broadcast %sign3A_318 : i32 to vector<16xi32>
    %sign3A_320 = arith.cmpi sgt, %get3A_314, %sign3A_319 : vector<16xi32>
    %sign3A_321 = arith.extui %sign3A_320 : vector<16xi1> to vector<16xi32>
    %sign3A_322 = arith.constant 0 : i32
    %sign3A_323 = vector.broadcast %sign3A_322 : i32 to vector<16xi32>
    %sign3A_324 = arith.cmpi slt, %get3A_314, %sign3A_323 : vector<16xi32>
    %sign3A_325 = arith.extui %sign3A_324 : vector<16xi1> to vector<16xi32>
    %sign3A_326 = arith.subi %sign3A_321, %sign3A_325 : vector<16xi32>
    %sign3A_327 = arith.constant 0 : i32
    %sign3A_328 = arith.cmpi sgt, %jit3A_315, %sign3A_327 : i32
    %sign3A_329 = arith.extui %sign3A_328 : i1 to i32
    %sign3A_330 = arith.constant 0 : i32
    %sign3A_331 = arith.cmpi slt, %jit3A_315, %sign3A_330 : i32
    %sign3A_332 = arith.extui %sign3A_331 : i1 to i32
    %sign3A_333 = arith.subi %sign3A_329, %sign3A_332 : i32
    %ne3A_334 = vector.broadcast %sign3A_333 : i32 to vector<16xi32>
    %ne3A_335 = arith.cmpi ne, %sign3A_326, %ne3A_334 : vector<16xi32>
    %rem3A_336 = vector.broadcast %jit3A_315 : i32 to vector<16xi32>
    %rem3A_337 = arith.remsi %get3A_314, %rem3A_336 : vector<16xi32>
    %ne3A_338 = arith.constant 0 : i32
    %ne3A_339 = vector.broadcast %ne3A_338 : i32 to vector<16xi32>
    %ne3A_340 = arith.cmpi ne, %rem3A_337, %ne3A_339 : vector<16xi32>
    %and3A_341 = arith.andi %ne3A_335, %ne3A_340 : vector<16xi1>
    %sub3A_342 = arith.constant 1 : i32
    %sub3A_343 = vector.broadcast %sub3A_342 : i32 to vector<16xi32>
    %sub3A_344 = arith.subi %div3A_317, %sub3A_343 : vector<16xi32>
    %select_n3A_345 = arith.select %and3A_341, %sub3A_344, %div3A_317 : vector<16xi1>, vector<16xi32>
    %mul3A_346 = arith.constant 8 : i32
    %mul3A_347 = vector.broadcast %mul3A_346 : i32 to vector<16xi32>
    %mul3A_348 = arith.muli %select_n3A_345, %mul3A_347 : vector<16xi32>
    %rem3A_349 = arith.constant 128 : i32
    %rem3A_350 = vector.broadcast %rem3A_349 : i32 to vector<16xi32>
    %rem3A_351 = arith.remsi %get3A_314, %rem3A_350 : vector<16xi32>
    tpu.vector_store_idx %arg11[%mul3A_348, %rem3A_351], %broadcast_in_dim3A_275 {add = true} : memref<16x128xf32, #tpu.memory_space<vmem>>[vector<16xi32>, vector<16xi32>], vector<16xf32>,
    %get3A_352 = arith.constant 0 : i32
    %get3A_353 = arith.index_cast %get3A_352 : i32 to index
    %get3A_354 = arith.constant 32 : index
    %get3A_355 = tpu.vector_load %arg7[%get3A_353, %get3A_354] {strides = array<i32>} : memref<2x128xi32, #tpu.memory_space<vmem>>, vector<16xi32>,
    %jit3A_356 = arith.constant 128 : i32
    %div3A_357 = vector.broadcast %jit3A_356 : i32 to vector<16xi32>
    %div3A_358 = arith.divsi %get3A_355, %div3A_357 : vector<16xi32>
    %sign3A_359 = arith.constant 0 : i32
    %sign3A_360 = vector.broadcast %sign3A_359 : i32 to vector<16xi32>
    %sign3A_361 = arith.cmpi sgt, %get3A_355, %sign3A_360 : vector<16xi32>
    %sign3A_362 = arith.extui %sign3A_361 : vector<16xi1> to vector<16xi32>
    %sign3A_363 = arith.constant 0 : i32
    %sign3A_364 = vector.broadcast %sign3A_363 : i32 to vector<16xi32>
    %sign3A_365 = arith.cmpi slt, %get3A_355, %sign3A_364 : vector<16xi32>
    %sign3A_366 = arith.extui %sign3A_365 : vector<16xi1> to vector<16xi32>
    %sign3A_367 = arith.subi %sign3A_362, %sign3A_366 : vector<16xi32>
    %sign3A_368 = arith.constant 0 : i32
    %sign3A_369 = arith.cmpi sgt, %jit3A_356, %sign3A_368 : i32
    %sign3A_370 = arith.extui %sign3A_369 : i1 to i32
    %sign3A_371 = arith.constant 0 : i32
    %sign3A_372 = arith.cmpi slt, %jit3A_356, %sign3A_371 : i32
    %sign3A_373 = arith.extui %sign3A_372 : i1 to i32
    %sign3A_374 = arith.subi %sign3A_370, %sign3A_373 : i32
    %ne3A_375 = vector.broadcast %sign3A_374 : i32 to vector<16xi32>
    %ne3A_376 = arith.cmpi ne, %sign3A_367, %ne3A_375 : vector<16xi32>
    %rem3A_377 = vector.broadcast %jit3A_356 : i32 to vector<16xi32>
    %rem3A_378 = arith.remsi %get3A_355, %rem3A_377 : vector<16xi32>
    %ne3A_379 = arith.constant 0 : i32
    %ne3A_380 = vector.broadcast %ne3A_379 : i32 to vector<16xi32>
    %ne3A_381 = arith.cmpi ne, %rem3A_378, %ne3A_380 : vector<16xi32>
    %and3A_382 = arith.andi %ne3A_376, %ne3A_381 : vector<16xi1>
    %sub3A_383 = arith.constant 1 : i32
    %sub3A_384 = vector.broadcast %sub3A_383 : i32 to vector<16xi32>
    %sub3A_385 = arith.subi %div3A_358, %sub3A_384 : vector<16xi32>
    %select_n3A_386 = arith.select %and3A_382, %sub3A_385, %div3A_358 : vector<16xi1>, vector<16xi32>
    %mul3A_387 = arith.constant 8 : i32
    %mul3A_388 = vector.broadcast %mul3A_387 : i32 to vector<16xi32>
    %mul3A_389 = arith.muli %select_n3A_386, %mul3A_388 : vector<16xi32>
    %rem3A_390 = arith.constant 128 : i32
    %rem3A_391 = vector.broadcast %rem3A_390 : i32 to vector<16xi32>
    %rem3A_392 = arith.remsi %get3A_355, %rem3A_391 : vector<16xi32>
    tpu.vector_store_idx %arg11[%mul3A_389, %rem3A_392], %broadcast_in_dim3A_275 {add = true} : memref<16x128xf32, #tpu.memory_space<vmem>>[vector<16xi32>, vector<16xi32>], vector<16xf32>,
    %get3A_393 = arith.constant 0 : i32
    %get3A_394 = arith.index_cast %get3A_393 : i32 to index
    %get3A_395 = arith.constant 48 : index
    %get3A_396 = tpu.vector_load %arg7[%get3A_394, %get3A_395] {strides = array<i32>} : memref<2x128xi32, #tpu.memory_space<vmem>>, vector<16xi32>,
    %jit3A_397 = arith.constant 128 : i32
    %div3A_398 = vector.broadcast %jit3A_397 : i32 to vector<16xi32>
    %div3A_399 = arith.divsi %get3A_396, %div3A_398 : vector<16xi32>
    %sign3A_400 = arith.constant 0 : i32
    %sign3A_401 = vector.broadcast %sign3A_400 : i32 to vector<16xi32>
    %sign3A_402 = arith.cmpi sgt, %get3A_396, %sign3A_401 : vector<16xi32>
    %sign3A_403 = arith.extui %sign3A_402 : vector<16xi1> to vector<16xi32>
    %sign3A_404 = arith.constant 0 : i32
    %sign3A_405 = vector.broadcast %sign3A_404 : i32 to vector<16xi32>
    %sign3A_406 = arith.cmpi slt, %get3A_396, %sign3A_405 : vector<16xi32>
    %sign3A_407 = arith.extui %sign3A_406 : vector<16xi1> to vector<16xi32>
    %sign3A_408 = arith.subi %sign3A_403, %sign3A_407 : vector<16xi32>
    %sign3A_409 = arith.constant 0 : i32
    %sign3A_410 = arith.cmpi sgt, %jit3A_397, %sign3A_409 : i32
    %sign3A_411 = arith.extui %sign3A_410 : i1 to i32
    %sign3A_412 = arith.constant 0 : i32
    %sign3A_413 = arith.cmpi slt, %jit3A_397, %sign3A_412 : i32
    %sign3A_414 = arith.extui %sign3A_413 : i1 to i32
    %sign3A_415 = arith.subi %sign3A_411, %sign3A_414 : i32
    %ne3A_416 = vector.broadcast %sign3A_415 : i32 to vector<16xi32>
    %ne3A_417 = arith.cmpi ne, %sign3A_408, %ne3A_416 : vector<16xi32>
    %rem3A_418 = vector.broadcast %jit3A_397 : i32 to vector<16xi32>
    %rem3A_419 = arith.remsi %get3A_396, %rem3A_418 : vector<16xi32>
    %ne3A_420 = arith.constant 0 : i32
    %ne3A_421 = vector.broadcast %ne3A_420 : i32 to vector<16xi32>
    %ne3A_422 = arith.cmpi ne, %rem3A_419, %ne3A_421 : vector<16xi32>
    %and3A_423 = arith.andi %ne3A_417, %ne3A_422 : vector<16xi1>
    %sub3A_424 = arith.constant 1 : i32
    %sub3A_425 = vector.broadcast %sub3A_424 : i32 to vector<16xi32>
    %sub3A_426 = arith.subi %div3A_399, %sub3A_425 : vector<16xi32>
    %select_n3A_427 = arith.select %and3A_423, %sub3A_426, %div3A_399 : vector<16xi1>, vector<16xi32>
    %mul3A_428 = arith.constant 8 : i32
    %mul3A_429 = vector.broadcast %mul3A_428 : i32 to vector<16xi32>
    %mul3A_430 = arith.muli %select_n3A_427, %mul3A_429 : vector<16xi32>
    %rem3A_431 = arith.constant 128 : i32
    %rem3A_432 = vector.broadcast %rem3A_431 : i32 to vector<16xi32>
    %rem3A_433 = arith.remsi %get3A_396, %rem3A_432 : vector<16xi32>
    tpu.vector_store_idx %arg11[%mul3A_430, %rem3A_433], %broadcast_in_dim3A_275 {add = true} : memref<16x128xf32, #tpu.memory_space<vmem>>[vector<16xi32>, vector<16xi32>], vector<16xf32>,
    %get3A_434 = arith.constant 0 : i32
    %get3A_435 = arith.index_cast %get3A_434 : i32 to index
    %get3A_436 = arith.constant 64 : index
    %get3A_437 = tpu.vector_load %arg7[%get3A_435, %get3A_436] {strides = array<i32>} : memref<2x128xi32, #tpu.memory_space<vmem>>, vector<16xi32>,
    %jit3A_438 = arith.constant 128 : i32
    %div3A_439 = vector.broadcast %jit3A_438 : i32 to vector<16xi32>
    %div3A_440 = arith.divsi %get3A_437, %div3A_439 : vector<16xi32>
    %sign3A_441 = arith.constant 0 : i32
    %sign3A_442 = vector.broadcast %sign3A_441 : i32 to vector<16xi32>
    %sign3A_443 = arith.cmpi sgt, %get3A_437, %sign3A_442 : vector<16xi32>
    %sign3A_444 = arith.extui %sign3A_443 : vector<16xi1> to vector<16xi32>
    %sign3A_445 = arith.constant 0 : i32
    %sign3A_446 = vector.broadcast %sign3A_445 : i32 to vector<16xi32>
    %sign3A_447 = arith.cmpi slt, %get3A_437, %sign3A_446 : vector<16xi32>
    %sign3A_448 = arith.extui %sign3A_447 : vector<16xi1> to vector<16xi32>
    %sign3A_449 = arith.subi %sign3A_444, %sign3A_448 : vector<16xi32>
    %sign3A_450 = arith.constant 0 : i32
    %sign3A_451 = arith.cmpi sgt, %jit3A_438, %sign3A_450 : i32
    %sign3A_452 = arith.extui %sign3A_451 : i1 to i32
    %sign3A_453 = arith.constant 0 : i32
    %sign3A_454 = arith.cmpi slt, %jit3A_438, %sign3A_453 : i32
    %sign3A_455 = arith.extui %sign3A_454 : i1 to i32
    %sign3A_456 = arith.subi %sign3A_452, %sign3A_455 : i32
    %ne3A_457 = vector.broadcast %sign3A_456 : i32 to vector<16xi32>
    %ne3A_458 = arith.cmpi ne, %sign3A_449, %ne3A_457 : vector<16xi32>
    %rem3A_459 = vector.broadcast %jit3A_438 : i32 to vector<16xi32>
    %rem3A_460 = arith.remsi %get3A_437, %rem3A_459 : vector<16xi32>
    %ne3A_461 = arith.constant 0 : i32
    %ne3A_462 = vector.broadcast %ne3A_461 : i32 to vector<16xi32>
    %ne3A_463 = arith.cmpi ne, %rem3A_460, %ne3A_462 : vector<16xi32>
    %and3A_464 = arith.andi %ne3A_458, %ne3A_463 : vector<16xi1>
    %sub3A_465 = arith.constant 1 : i32
    %sub3A_466 = vector.broadcast %sub3A_465 : i32 to vector<16xi32>
    %sub3A_467 = arith.subi %div3A_440, %sub3A_466 : vector<16xi32>
    %select_n3A_468 = arith.select %and3A_464, %sub3A_467, %div3A_440 : vector<16xi1>, vector<16xi32>
    %mul3A_469 = arith.constant 8 : i32
    %mul3A_470 = vector.broadcast %mul3A_469 : i32 to vector<16xi32>
    %mul3A_471 = arith.muli %select_n3A_468, %mul3A_470 : vector<16xi32>
    %rem3A_472 = arith.constant 128 : i32
    %rem3A_473 = vector.broadcast %rem3A_472 : i32 to vector<16xi32>
    %rem3A_474 = arith.remsi %get3A_437, %rem3A_473 : vector<16xi32>
    tpu.vector_store_idx %arg11[%mul3A_471, %rem3A_474], %broadcast_in_dim3A_275 {add = true} : memref<16x128xf32, #tpu.memory_space<vmem>>[vector<16xi32>, vector<16xi32>], vector<16xf32>,
    %get3A_475 = arith.constant 0 : i32
    %get3A_476 = arith.index_cast %get3A_475 : i32 to index
    %get3A_477 = arith.constant 80 : index
    %get3A_478 = tpu.vector_load %arg7[%get3A_476, %get3A_477] {strides = array<i32>} : memref<2x128xi32, #tpu.memory_space<vmem>>, vector<16xi32>,
    %jit3A_479 = arith.constant 128 : i32
    %div3A_480 = vector.broadcast %jit3A_479 : i32 to vector<16xi32>
    %div3A_481 = arith.divsi %get3A_478, %div3A_480 : vector<16xi32>
    %sign3A_482 = arith.constant 0 : i32
    %sign3A_483 = vector.broadcast %sign3A_482 : i32 to vector<16xi32>
    %sign3A_484 = arith.cmpi sgt, %get3A_478, %sign3A_483 : vector<16xi32>
    %sign3A_485 = arith.extui %sign3A_484 : vector<16xi1> to vector<16xi32>
    %sign3A_486 = arith.constant 0 : i32
    %sign3A_487 = vector.broadcast %sign3A_486 : i32 to vector<16xi32>
    %sign3A_488 = arith.cmpi slt, %get3A_478, %sign3A_487 : vector<16xi32>
    %sign3A_489 = arith.extui %sign3A_488 : vector<16xi1> to vector<16xi32>
    %sign3A_490 = arith.subi %sign3A_485, %sign3A_489 : vector<16xi32>
    %sign3A_491 = arith.constant 0 : i32
    %sign3A_492 = arith.cmpi sgt, %jit3A_479, %sign3A_491 : i32
    %sign3A_493 = arith.extui %sign3A_492 : i1 to i32
    %sign3A_494 = arith.constant 0 : i32
    %sign3A_495 = arith.cmpi slt, %jit3A_479, %sign3A_494 : i32
    %sign3A_496 = arith.extui %sign3A_495 : i1 to i32
    %sign3A_497 = arith.subi %sign3A_493, %sign3A_496 : i32
    %ne3A_498 = vector.broadcast %sign3A_497 : i32 to vector<16xi32>
    %ne3A_499 = arith.cmpi ne, %sign3A_490, %ne3A_498 : vector<16xi32>
    %rem3A_500 = vector.broadcast %jit3A_479 : i32 to vector<16xi32>
    %rem3A_501 = arith.remsi %get3A_478, %rem3A_500 : vector<16xi32>
    %ne3A_502 = arith.constant 0 : i32
    %ne3A_503 = vector.broadcast %ne3A_502 : i32 to vector<16xi32>
    %ne3A_504 = arith.cmpi ne, %rem3A_501, %ne3A_503 : vector<16xi32>
    %and3A_505 = arith.andi %ne3A_499, %ne3A_504 : vector<16xi1>
    %sub3A_506 = arith.constant 1 : i32
    %sub3A_507 = vector.broadcast %sub3A_506 : i32 to vector<16xi32>
    %sub3A_508 = arith.subi %div3A_481, %sub3A_507 : vector<16xi32>
    %select_n3A_509 = arith.select %and3A_505, %sub3A_508, %div3A_481 : vector<16xi1>, vector<16xi32>
    %mul3A_510 = arith.constant 8 : i32
    %mul3A_511 = vector.broadcast %mul3A_510 : i32 to vector<16xi32>
    %mul3A_512 = arith.muli %select_n3A_509, %mul3A_511 : vector<16xi32>
    %rem3A_513 = arith.constant 128 : i32
    %rem3A_514 = vector.broadcast %rem3A_513 : i32 to vector<16xi32>
    %rem3A_515 = arith.remsi %get3A_478, %rem3A_514 : vector<16xi32>
    tpu.vector_store_idx %arg11[%mul3A_512, %rem3A_515], %broadcast_in_dim3A_275 {add = true} : memref<16x128xf32, #tpu.memory_space<vmem>>[vector<16xi32>, vector<16xi32>], vector<16xf32>,
    %get3A_516 = arith.constant 0 : i32
    %get3A_517 = arith.index_cast %get3A_516 : i32 to index
    %get3A_518 = arith.constant 96 : index
    %get3A_519 = tpu.vector_load %arg7[%get3A_517, %get3A_518] {strides = array<i32>} : memref<2x128xi32, #tpu.memory_space<vmem>>, vector<16xi32>,
    %jit3A_520 = arith.constant 128 : i32
    %div3A_521 = vector.broadcast %jit3A_520 : i32 to vector<16xi32>
    %div3A_522 = arith.divsi %get3A_519, %div3A_521 : vector<16xi32>
    %sign3A_523 = arith.constant 0 : i32
    %sign3A_524 = vector.broadcast %sign3A_523 : i32 to vector<16xi32>
    %sign3A_525 = arith.cmpi sgt, %get3A_519, %sign3A_524 : vector<16xi32>
    %sign3A_526 = arith.extui %sign3A_525 : vector<16xi1> to vector<16xi32>
    %sign3A_527 = arith.constant 0 : i32
    %sign3A_528 = vector.broadcast %sign3A_527 : i32 to vector<16xi32>
    %sign3A_529 = arith.cmpi slt, %get3A_519, %sign3A_528 : vector<16xi32>
    %sign3A_530 = arith.extui %sign3A_529 : vector<16xi1> to vector<16xi32>
    %sign3A_531 = arith.subi %sign3A_526, %sign3A_530 : vector<16xi32>
    %sign3A_532 = arith.constant 0 : i32
    %sign3A_533 = arith.cmpi sgt, %jit3A_520, %sign3A_532 : i32
    %sign3A_534 = arith.extui %sign3A_533 : i1 to i32
    %sign3A_535 = arith.constant 0 : i32
    %sign3A_536 = arith.cmpi slt, %jit3A_520, %sign3A_535 : i32
    %sign3A_537 = arith.extui %sign3A_536 : i1 to i32
    %sign3A_538 = arith.subi %sign3A_534, %sign3A_537 : i32
    %ne3A_539 = vector.broadcast %sign3A_538 : i32 to vector<16xi32>
    %ne3A_540 = arith.cmpi ne, %sign3A_531, %ne3A_539 : vector<16xi32>
    %rem3A_541 = vector.broadcast %jit3A_520 : i32 to vector<16xi32>
    %rem3A_542 = arith.remsi %get3A_519, %rem3A_541 : vector<16xi32>
    %ne3A_543 = arith.constant 0 : i32
    %ne3A_544 = vector.broadcast %ne3A_543 : i32 to vector<16xi32>
    %ne3A_545 = arith.cmpi ne, %rem3A_542, %ne3A_544 : vector<16xi32>
    %and3A_546 = arith.andi %ne3A_540, %ne3A_545 : vector<16xi1>
    %sub3A_547 = arith.constant 1 : i32
    %sub3A_548 = vector.broadcast %sub3A_547 : i32 to vector<16xi32>
    %sub3A_549 = arith.subi %div3A_522, %sub3A_548 : vector<16xi32>
    %select_n3A_550 = arith.select %and3A_546, %sub3A_549, %div3A_522 : vector<16xi1>, vector<16xi32>
    %mul3A_551 = arith.constant 8 : i32
    %mul3A_552 = vector.broadcast %mul3A_551 : i32 to vector<16xi32>
    %mul3A_553 = arith.muli %select_n3A_550, %mul3A_552 : vector<16xi32>
    %rem3A_554 = arith.constant 128 : i32
    %rem3A_555 = vector.broadcast %rem3A_554 : i32 to vector<16xi32>
    %rem3A_556 = arith.remsi %get3A_519, %rem3A_555 : vector<16xi32>
    tpu.vector_store_idx %arg11[%mul3A_553, %rem3A_556], %broadcast_in_dim3A_275 {add = true} : memref<16x128xf32, #tpu.memory_space<vmem>>[vector<16xi32>, vector<16xi32>], vector<16xf32>,
    %get3A_557 = arith.constant 0 : i32
    %get3A_558 = arith.index_cast %get3A_557 : i32 to index
    %get3A_559 = arith.constant 112 : index
    %get3A_560 = tpu.vector_load %arg7[%get3A_558, %get3A_559] {strides = array<i32>} : memref<2x128xi32, #tpu.memory_space<vmem>>, vector<16xi32>,
    %jit3A_561 = arith.constant 128 : i32
    %div3A_562 = vector.broadcast %jit3A_561 : i32 to vector<16xi32>
    %div3A_563 = arith.divsi %get3A_560, %div3A_562 : vector<16xi32>
    %sign3A_564 = arith.constant 0 : i32
    %sign3A_565 = vector.broadcast %sign3A_564 : i32 to vector<16xi32>
    %sign3A_566 = arith.cmpi sgt, %get3A_560, %sign3A_565 : vector<16xi32>
    %sign3A_567 = arith.extui %sign3A_566 : vector<16xi1> to vector<16xi32>
    %sign3A_568 = arith.constant 0 : i32
    %sign3A_569 = vector.broadcast %sign3A_568 : i32 to vector<16xi32>
    %sign3A_570 = arith.cmpi slt, %get3A_560, %sign3A_569 : vector<16xi32>
    %sign3A_571 = arith.extui %sign3A_570 : vector<16xi1> to vector<16xi32>
    %sign3A_572 = arith.subi %sign3A_567, %sign3A_571 : vector<16xi32>
    %sign3A_573 = arith.constant 0 : i32
    %sign3A_574 = arith.cmpi sgt, %jit3A_561, %sign3A_573 : i32
    %sign3A_575 = arith.extui %sign3A_574 : i1 to i32
    %sign3A_576 = arith.constant 0 : i32
    %sign3A_577 = arith.cmpi slt, %jit3A_561, %sign3A_576 : i32
    %sign3A_578 = arith.extui %sign3A_577 : i1 to i32
    %sign3A_579 = arith.subi %sign3A_575, %sign3A_578 : i32
    %ne3A_580 = vector.broadcast %sign3A_579 : i32 to vector<16xi32>
    %ne3A_581 = arith.cmpi ne, %sign3A_572, %ne3A_580 : vector<16xi32>
    %rem3A_582 = vector.broadcast %jit3A_561 : i32 to vector<16xi32>
    %rem3A_583 = arith.remsi %get3A_560, %rem3A_582 : vector<16xi32>
    %ne3A_584 = arith.constant 0 : i32
    %ne3A_585 = vector.broadcast %ne3A_584 : i32 to vector<16xi32>
    %ne3A_586 = arith.cmpi ne, %rem3A_583, %ne3A_585 : vector<16xi32>
    %and3A_587 = arith.andi %ne3A_581, %ne3A_586 : vector<16xi1>
    %sub3A_588 = arith.constant 1 : i32
    %sub3A_589 = vector.broadcast %sub3A_588 : i32 to vector<16xi32>
    %sub3A_590 = arith.subi %div3A_563, %sub3A_589 : vector<16xi32>
    %select_n3A_591 = arith.select %and3A_587, %sub3A_590, %div3A_563 : vector<16xi1>, vector<16xi32>
    %mul3A_592 = arith.constant 8 : i32
    %mul3A_593 = vector.broadcast %mul3A_592 : i32 to vector<16xi32>
    %mul3A_594 = arith.muli %select_n3A_591, %mul3A_593 : vector<16xi32>
    %rem3A_595 = arith.constant 128 : i32
    %rem3A_596 = vector.broadcast %rem3A_595 : i32 to vector<16xi32>
    %rem3A_597 = arith.remsi %get3A_560, %rem3A_596 : vector<16xi32>
    tpu.vector_store_idx %arg11[%mul3A_594, %rem3A_597], %broadcast_in_dim3A_275 {add = true} : memref<16x128xf32, #tpu.memory_space<vmem>>[vector<16xi32>, vector<16xi32>], vector<16xf32>,
    %mul3A_598 = arith.constant 16 : i32
    %mul3A_599 = arith.muli %add3A, %mul3A_598 : i32
    "tpu.region"() ({
      %run_scoped3A_605 = tpu.sem_alloc : memref<!tpu.dma_semaphore, #tpu.memory_space<semaphore_mem>>
      %dma_start3A_606 = arith.constant 0 : i32
      %dma_start3A_607 = tpu.memref_slice %arg5[%mul3A_599, %dma_start3A_606] : memref<512x128xf32, #tpu.memory_space<hbm>> -> memref<16x128xf32, #tpu.memory_space<hbm>>
      %dma_start3A_608 = arith.constant 0 : i32
      %dma_start3A_609 = tpu.memref_slice %arg5[%mul3A_599, %dma_start3A_608] : memref<512x128xf32, #tpu.memory_space<hbm>> -> memref<16x128xf32, #tpu.memory_space<hbm>>
      tpu.enqueue_dma source(%arg11 : memref<16x128xf32, #tpu.memory_space<vmem>>) target(%dma_start3A_609 : memref<16x128xf32, #tpu.memory_space<hbm>>) target_semaphore(%run_scoped3A_605 : memref<!tpu.dma_semaphore, #tpu.memory_space<semaphore_mem>>)
      %dma_wait3A_610 = arith.constant 0 : i32
      %dma_wait3A_611 = tpu.memref_slice %arg5[%mul3A_599, %dma_wait3A_610] : memref<512x128xf32, #tpu.memory_space<hbm>> -> memref<16x128xf32, #tpu.memory_space<hbm>>
      %dma_wait3A_612 = arith.constant 0 : i32
      %dma_wait3A_613 = tpu.memref_slice %arg5[%mul3A_599, %dma_wait3A_612] : memref<512x128xf32, #tpu.memory_space<hbm>> -> memref<16x128xf32, #tpu.memory_space<hbm>>
      tpu.wait_dma2 semaphore(%run_scoped3A_605 : memref<!tpu.dma_semaphore, #tpu.memory_space<semaphore_mem>>) src(%arg11 : memref<16x128xf32, #tpu.memory_space<vmem>>) dst(%dma_wait3A_613 : memref<16x128xf32, #tpu.memory_space<hbm>>)
      tpu.yield
    }) : () -> ()
    %barrier3A_600 = arith.constant 0 : index
    tpu.barrier barrier_id(%barrier3A_600)
    %mul3A_601 = arith.constant 32 : i32
    %mul3A_602 = arith.muli %arg1, %mul3A_601 : i32
    %mul3A_603 = arith.constant 32 : i32
    %mul3A_604 = arith.muli %arg1, %mul3A_603 : i32
    "tpu.region"() ({
      %run_scoped3A_605 = tpu.sem_alloc : memref<!tpu.dma_semaphore, #tpu.memory_space<semaphore_mem>>
      %dma_start3A_606 = arith.constant 0 : i32
      %dma_start3A_607 = tpu.memref_slice %arg4[%arg0, %mul3A_604, %dma_start3A_606] : memref<2x512x128xf32, #tpu.memory_space<hbm>> -> memref<1x32x128xf32, #tpu.memory_space<hbm>>
      %dma_start3A_608 = tpu.memref_squeeze %dma_start3A_607 : memref<1x32x128xf32, #tpu.memory_space<hbm>> -> memref<32x128xf32, #tpu.memory_space<hbm>>
      %dma_start3A_609 = arith.constant 0 : i32
      %dma_start3A_610 = tpu.memref_slice %arg12[%mul3A_602, %dma_start3A_609] : memref<512x128xf32, #tpu.memory_space<vmem_shared>> -> memref<32x128xf32, #tpu.memory_space<vmem_shared>>
      tpu.enqueue_dma source(%dma_start3A_610 : memref<32x128xf32, #tpu.memory_space<vmem_shared>>) target(%dma_start3A_608 : memref<32x128xf32, #tpu.memory_space<hbm>>) target_semaphore(%run_scoped3A_605 : memref<!tpu.dma_semaphore, #tpu.memory_space<semaphore_mem>>)
      %dma_wait3A_611 = arith.constant 0 : i32
      %dma_wait3A_612 = tpu.memref_slice %arg4[%arg0, %mul3A_604, %dma_wait3A_611] : memref<2x512x128xf32, #tpu.memory_space<hbm>> -> memref<1x32x128xf32, #tpu.memory_space<hbm>>
      %dma_wait3A_613 = tpu.memref_squeeze %dma_wait3A_612 : memref<1x32x128xf32, #tpu.memory_space<hbm>> -> memref<32x128xf32, #tpu.memory_space<hbm>>
      %dma_wait3A_614 = arith.constant 0 : i32
      %dma_wait3A_615 = tpu.memref_slice %arg12[%mul3A_602, %dma_wait3A_614] : memref<512x128xf32, #tpu.memory_space<vmem_shared>> -> memref<32x128xf32, #tpu.memory_space<vmem_shared>>
      tpu.wait_dma2 semaphore(%run_scoped3A_605 : memref<!tpu.dma_semaphore, #tpu.memory_space<semaphore_mem>>) src(%dma_wait3A_615 : memref<32x128xf32, #tpu.memory_space<vmem_shared>>) dst(%dma_wait3A_613 : memref<32x128xf32, #tpu.memory_space<hbm>>)
      tpu.yield
    }) : () -> ()
    return
  }
}

module attributes {stable_mosaic.version = 14 : i64} {
  func.func @_proj_body(%arg0: i32, %arg1: memref<2048x256xf32, #tpu.memory_space<vmem>>, %arg2: memref<256x256xf32, #tpu.memory_space<vmem>>, %arg3: memref<2x2048x128xf32, #tpu.memory_space<vmem>>) attributes {dimension_semantics = [#tpu.dimension_semantics<arbitrary>], iteration_bounds = array<i64: 2>, scalar_prefetch = 0 : i64, scratch_operands = 0 : i64, tpu.core_type = #tpu.core_type<tc>, window_params = [{transform_indices = @transform_0, window_bounds = array<i64: 2048, 256>}, {pipeline_mode = #tpu.pipeline_mode<synchronous>, transform_indices = @transform_1, window_bounds = array<i64: 256, 256>}, {transform_indices = @transform_2, window_bounds = array<i64: 2, 2048, 128>}]} {
    %get3A = arith.constant 0 : index
    %get3A_0 = arith.constant 0 : index
    %get3A_1 = vector.load %arg1[%get3A, %get3A_0] : memref<2048x256xf32, #tpu.memory_space<vmem>>, vector<2048x256xf32>
    %get3A_2 = arith.constant 0 : index
    %get3A_3 = arith.constant 0 : index
    %get3A_4 = vector.load %arg2[%get3A_2, %get3A_3] : memref<256x256xf32, #tpu.memory_space<vmem>>, vector<256x256xf32>
    %dot_general3A = arith.constant dense<0.000000e+00> : vector<2048x256xf32>
    %dot_general3A_5 = tpu.matmul %get3A_1, %get3A_4, %dot_general3A {dimension_numbers = #tpu.dot_dimension_numbers<[1], [0], [0], [1], [0, 0, 1, 1], [], []>, transpose_lhs_hint = false} : vector<2048x256xf32>, vector<256x256xf32>, vector<2048x256xf32> -> vector<2048x256xf32>
    %slice3A = vector.extract_strided_slice %dot_general3A_5 {offsets = [0, 0], sizes = [2048, 128], strides = [1, 1]} : vector<2048x256xf32> to vector<2048x128xf32>
    %swap3A = arith.constant 0 : index
    %swap3A_6 = arith.constant 0 : index
    %swap3A_7 = arith.constant 0 : index
    %swap3A_8 = vector.load %arg3[%swap3A, %swap3A_6, %swap3A_7] : memref<2x2048x128xf32, #tpu.memory_space<vmem>>, vector<1x2048x128xf32>
    %swap3A_9 = vector.shape_cast %swap3A_8 : vector<1x2048x128xf32> to vector<2048x128xf32>
    %swap3A_10 = vector.shape_cast %slice3A : vector<2048x128xf32> to vector<1x2048x128xf32>
    tpu.vector_store %arg3[%swap3A, %swap3A_6, %swap3A_7], %swap3A_10 {strides = array<i32>} : memref<2x2048x128xf32, #tpu.memory_space<vmem>>, vector<1x2048x128xf32>,
    %slice3A_11 = vector.extract_strided_slice %dot_general3A_5 {offsets = [0, 128], sizes = [2048, 128], strides = [1, 1]} : vector<2048x256xf32> to vector<2048x128xf32>
    %swap3A_12 = arith.constant 1 : index
    %swap3A_13 = arith.constant 0 : index
    %swap3A_14 = arith.constant 0 : index
    %swap3A_15 = vector.load %arg3[%swap3A_12, %swap3A_13, %swap3A_14] : memref<2x2048x128xf32, #tpu.memory_space<vmem>>, vector<1x2048x128xf32>
    %swap3A_16 = vector.shape_cast %swap3A_15 : vector<1x2048x128xf32> to vector<2048x128xf32>
    %swap3A_17 = vector.shape_cast %slice3A_11 : vector<2048x128xf32> to vector<1x2048x128xf32>
    tpu.vector_store %arg3[%swap3A_12, %swap3A_13, %swap3A_14], %swap3A_17 {strides = array<i32>} : memref<2x2048x128xf32, #tpu.memory_space<vmem>>, vector<1x2048x128xf32>,
    return
  }
  func.func @transform_0(%arg0: i32) -> (i32, i32) {
    %c0_i32 = arith.constant 0 : i32
    %c0_i32_0 = arith.constant 0 : i32
    return %arg0, %c0_i32 : i32, i32
  }
  func.func @transform_1(%arg0: i32) -> (i32, i32) {
    %c0_i32 = arith.constant 0 : i32
    %c0_i32_0 = arith.constant 0 : i32
    %c0_i32_1 = arith.constant 0 : i32
    return %c0_i32, %c0_i32_0 : i32, i32
  }
  func.func @transform_2(%arg0: i32) -> (i32, i32, i32) {
    %c0_i32 = arith.constant 0 : i32
    %c0_i32_0 = arith.constant 0 : i32
    %c0_i32_1 = arith.constant 0 : i32
    return %c0_i32, %arg0, %c0_i32_0 : i32, i32, i32
  }
}

module attributes {stable_mosaic.version = 14 : i64} {
  func.func @_tc_body(%arg0: memref<2x512x128xf32, #tpu.memory_space<vmem>>, %arg1: memref<512x128xf32, #tpu.memory_space<vmem>>, %arg2: memref<4096x1xf32, #tpu.memory_space<vmem>>, %arg3: memref<1xf32, #tpu.memory_space<smem>>, %arg4: memref<1x1xf32, #tpu.memory_space<vmem>>) attributes {dimension_semantics = [], scalar_prefetch = 0 : i64, scratch_operands = 0 : i64, tpu.core_type = #tpu.core_type<tc>} {
    %get3A = arith.constant 0 : index
    %get3A_0 = arith.constant 0 : index
    %get3A_1 = arith.constant 0 : index
    %get3A_2 = vector.load %arg0[%get3A, %get3A_0, %get3A_1] : memref<2x512x128xf32, #tpu.memory_space<vmem>>, vector<1x256x128xf32>
    %get3A_3 = vector.shape_cast %get3A_2 : vector<1x256x128xf32> to vector<256x128xf32>
    %get3A_4 = arith.constant 1 : index
    %get3A_5 = arith.constant 0 : index
    %get3A_6 = arith.constant 0 : index
    %get3A_7 = vector.load %arg0[%get3A_4, %get3A_5, %get3A_6] : memref<2x512x128xf32, #tpu.memory_space<vmem>>, vector<1x256x128xf32>
    %get3A_8 = vector.shape_cast %get3A_7 : vector<1x256x128xf32> to vector<256x128xf32>
    %add3A = arith.addf %get3A_3, %get3A_8 : vector<256x128xf32>
    %get3A_9 = arith.constant 0 : index
    %get3A_10 = arith.constant 256 : index
    %get3A_11 = arith.constant 0 : index
    %get3A_12 = vector.load %arg0[%get3A_9, %get3A_10, %get3A_11] : memref<2x512x128xf32, #tpu.memory_space<vmem>>, vector<1x256x128xf32>
    %get3A_13 = vector.shape_cast %get3A_12 : vector<1x256x128xf32> to vector<256x128xf32>
    %get3A_14 = arith.constant 1 : index
    %get3A_15 = arith.constant 256 : index
    %get3A_16 = arith.constant 0 : index
    %get3A_17 = vector.load %arg0[%get3A_14, %get3A_15, %get3A_16] : memref<2x512x128xf32, #tpu.memory_space<vmem>>, vector<1x256x128xf32>
    %get3A_18 = vector.shape_cast %get3A_17 : vector<1x256x128xf32> to vector<256x128xf32>
    %add3A_19 = arith.addf %get3A_13, %get3A_18 : vector<256x128xf32>
    %concatenate3A = tpu.concatenate %add3A, %add3A_19 in 1 : vector<256x128xf32>, vector<256x128xf32> -> vector<256x256xf32>
    %max3A = arith.constant 0.000000e+00 : f32
    %max3A_20 = vector.broadcast %max3A : f32 to vector<256x256xf32>
    %max3A_21 = arith.maximumf %concatenate3A, %max3A_20 : vector<256x256xf32>
    %get3A_22 = arith.constant 0 : index
    %get3A_23 = arith.constant 0 : index
    %get3A_24 = vector.load %arg1[%get3A_22, %get3A_23] : memref<512x128xf32, #tpu.memory_space<vmem>>, vector<512x128xf32>
    %reshape3A = vector.shape_cast %get3A_24 : vector<512x128xf32> to vector<32x16x128xf32>
    %reduce_sum3A = arith.constant dense<0.000000e+00> : vector<16x128xf32>
    %reduce_sum3A_25 = vector.multi_reduction <add>, %reshape3A, %reduce_sum3A [0] : vector<32x16x128xf32> to vector<16x128xf32>
    %slice3A = vector.extract_strided_slice %reduce_sum3A_25 {offsets = [0, 0], sizes = [1, 128], strides = [1, 1]} : vector<16x128xf32> to vector<1x128xf32>
    %slice3A_26 = vector.extract_strided_slice %reduce_sum3A_25 {offsets = [8, 0], sizes = [1, 128], strides = [1, 1]} : vector<16x128xf32> to vector<1x128xf32>
    %concatenate3A_27 = tpu.concatenate %slice3A, %slice3A_26 in 1 : vector<1x128xf32>, vector<1x128xf32> -> vector<1x256xf32>
    %mul3A = vector.broadcast %concatenate3A_27 : vector<1x256xf32> to vector<256x256xf32>
    %mul3A_28 = arith.mulf %max3A_21, %mul3A : vector<256x256xf32>
    %get3A_29 = arith.constant 0 : index
    %get3A_30 = arith.constant 0 : index
    %get3A_31 = vector.load %arg2[%get3A_29, %get3A_30] : memref<4096x1xf32, #tpu.memory_space<vmem>>, vector<256x1xf32>
    %mul3A_32 = vector.broadcast %get3A_31 : vector<256x1xf32> to vector<256x256xf32>
    %mul3A_33 = arith.mulf %mul3A_28, %mul3A_32 : vector<256x256xf32>
    %reduce_sum3A_34 = vector.shape_cast %mul3A_33 : vector<256x256xf32> to vector<1x256x256xf32>
    %reduce_sum3A_35 = arith.constant dense<0.000000e+00> : vector<1xf32>
    %reduce_sum3A_36 = vector.multi_reduction <add>, %reduce_sum3A_34, %reduce_sum3A_35 [1, 2] : vector<1x256x256xf32> to vector<1xf32>
    %reduce_sum3A_37 = vector.shape_cast %reduce_sum3A_36 : vector<1xf32> to vector<1x1x1xf32>
    %reduce_sum3A_38 = vector.extract %reduce_sum3A_37[0, 0, 0] : f32 from vector<1x1x1xf32>
    %get3A_39 = arith.constant 0 : index
    %get3A_40 = memref.load %arg3[%get3A_39] : memref<1xf32, #tpu.memory_space<smem>>
    %add3A_41 = arith.addf %reduce_sum3A_38, %get3A_40 : f32
    %reshape3A_42 = vector.broadcast %add3A_41 : f32 to vector<1x1xf32>
    %swap3A = arith.constant 0 : index
    %swap3A_43 = arith.constant 0 : index
    %swap3A_44 = vector.load %arg4[%swap3A, %swap3A_43] : memref<1x1xf32, #tpu.memory_space<vmem>>, vector<1x1xf32>
    tpu.vector_store %arg4[%swap3A, %swap3A_43], %reshape3A_42 {strides = array<i32>} : memref<1x1xf32, #tpu.memory_space<vmem>>, vector<1x1xf32>,
    return
  }
}

</mosaic_0001>

<sc_bundles>
// kernel: kernel.5.cloned.1.call-start
scs
__scs_entry_jumppad:
0x0: {  	(pc) =	sbr.rel $0x88, $3  }
0x1: {  	(tag) =	ssettag $0x0;
	lr =	simm.s32 $0x1  }
0x2: {  	[smem:$0x3F9C] =	sst lr;
	_ =	strace $0xD0000000  }
0x3: {  	_ = 	snop  }
0x4: {  	_ = 	snop  }
0x5: {  	_ = 	snop  }
0x6: {  	_ = 	snop  }
0x7: {  	_ = 	snop  }
__scs_overlays_trampoline_lowered:
0x8: {  	[smem:$0x3FAB] =	sst s0  }
0x9: {  	[smem:$0x3FAC] =	sst s1  }
0xa: {  	[smem:$0x3FAD] =	sst s2  }
0xb: {  	[smem:$0x3FAE] =	sst s3  }
0xc: {  	[smem:$0x3FAF] =	sst s4  }
0xd: {  	[smem:$0x3FB0] =	sst s5  }
0xe: {  	[smem:$0x3FB1] =	sst s6  }
0xf: {  	[smem:$0x3FB2] =	sst s7  }
0x10: {  	[smem:$0x3FB3] =	sst s8  }
0x11: {  	[smem:$0x3FB4] =	sst s9;
	s0 =	simm.s32 @!p0 $0x0  }
0x12: {  	s1 =	sld [smem:$0x3F9A];
	s0 =	simm.s32 @p0 $0x1  }
0x13: {  	[smem:$0x3FB5] =	sst s0;
	s0 =	simm.s32 @!p1 $0x0  }
0x14: {  	s2 =	sld [smem:$0x3F99];
	s0 =	simm.s32 @p1 $0x1  }
0x15: {  	[smem:$0x3FB6] =	sst s0;
	s0 =	simm.s32 @!p2 $0x0  }
0x16: {  	s3 =	sld [smem:$0x3FDB];
	s0 =	simm.s32 @p2 $0x1  }
0x17: {  	s4 =	simm.s32 $0x1BF5;
	[smem:$0x3FB8] =	sst s0  }
0x18: {  	s0 =	sld [smem:$0x3F9B];
	_ =	swait.ge [sflag:s4], $0x0  }
0x19: {  	s7 =	sld [smem:$0x3F9C]  }
0x1a: {  	s8 =	sadd.s32 $0xFFFFE003, lr  }
0x1b: {  	s9 =	sadd.s32 $0xFFFFFEF7, lr;
	s5 =	simm.s32 $0xFFFFFFFF;
	p2 =	slt.u32 s8, $0xFFFFF086  }
0x1c: {  	p1 =	slt.u32 s9, $0xF7A;
	s5 =	simm.s32 @!p2 $0x0  }
0x1d: {  	s5 =	simm.s32 @p1 $0x1;
	p0 =	seq.s32 s7, s2  }
0x1e: {  	s7 =	smul.u32 @!p0 $0xF7A, s2;
	p2 =	seq.s32 @!p0 s5, $0x0  }
0x1f: {  	s9 =	smul.u32 $0xF7A, s1;
	s8 =	simm.s32 @!p0 $0x1BF5;
	p2 =	por !p2, p0  }
0x20: {  	[sflag:s8] =	ssyncset.s32 @!p0 $0xFFFFF086;
	s6 =	sadd.s32 @!p0 s3, s7;
	s7 =	simm.s32 @!p0 $0x108  }
0x21: {  	s3 =	sadd.s32 s3, s9;
	s6 =	sadd.s32 @!p0 $0x88, s6;
	s7 =	simm.s32 @p2 $0x1082  }
0x22: {  	[simem:s7], [sflag:s8] =	dma.local @!p0 [hbm:s6], $0xF7A  }
0x23: {  	s9 =	sor.u32 $0xD0000000, s2;
	s6 =	simm.s32 $0x108;
	_ =	swait.ge @!p0 [sflag:s8], $0x0  }
0x24: {  	s3 =	sadd.s32 $0x88, s3;
	s6 =	simm.s32 @!p1 $0x1082;
	[sflag:s4] =	ssyncset.s32 $0xFFFFF086  }
0x25: {  	[simem:s6], [sflag:s4] =	dma.local [hbm:s3], $0xF7A  }
0x26: {  	[smem:$0x3F9C] =	sst s1;
	(tag) =	ssettag s2;
	_ =	strace s9  }
0x27: {  	s1 =	sld [smem:$0x3FAC]  }
0x28: {  	s2 =	sld [smem:$0x3FAD]  }
0x29: {  	s4 =	sld [smem:$0x3FAF]  }
0x2a: {  	p0 =	seq.s32 s5, $0x0;
	s5 =	sld [smem:$0x3FB0]  }
0x2b: {  	s6 =	sld [smem:$0x3FB1]  }
0x2c: {  	s7 =	sld [smem:$0x3FB2]  }
0x2d: {  	s3 =	simm.s32 $0x108;
	s8 =	sld [smem:$0x3FB3]  }
0x2e: {  	s3 =	simm.s32 @!p0 $0x1082;
	s9 =	sld [smem:$0x3FB4]  }
0x2f: {  	lr =	sadd.s32 s0, s3;
	s0 =	sld [smem:$0x3FAB]  }
0x30: {  	s3 =	sld [smem:$0x3FAE]  }
0x31: {  	[smem:$0x3FB7] =	sst s10  }
0x32: {  	s10 =	sld [smem:$0x3FB5];
	_ =	sdelay $0x3  }
0x33: {  	p0 =	seq.s32 s10, $0x1;
	s10 =	sld [smem:$0x3FB7];
	_ =	sdelay $0x3  }
0x34: {  	[smem:$0x3FB7] =	sst s10  }
0x35: {  	s10 =	sld [smem:$0x3FB6];
	_ =	sdelay $0x3  }
0x36: {  	p1 =	seq.s32 s10, $0x1;
	s10 =	sld [smem:$0x3FB7];
	_ =	sdelay $0x3  }
0x37: {  	[smem:$0x3FB7] =	sst s10  }
0x38: {  	s10 =	sld [smem:$0x3FB8]  }
0x39: {  	_ = 	snop;
	(pc) =	sbr.ind lr, $3  }
0x3a: {  	_ = 	snop  }
0x3b: {  	_ = 	snop  }
0x3c: {  	p2 =	seq.s32 s10, $0x1;
	s10 =	sld [smem:$0x3FB7]  }
0x3d: {  	_ =	shalt  }
0x3e: {  	_ =	shalt  }
0x3f: {  	_ =	shalt  }
0x40: {  	_ =	shalt  }
0x41: {  	_ =	shalt  }
0x42: {  	_ =	shalt  }
0x43: {  	_ =	shalt  }
0x44: {  	_ =	shalt  }
0x45: {  	_ =	shalt  }
0x46: {  	_ =	shalt  }
0x47: {  	_ =	shalt  }
0x48: {  	_ =	shalt  }
0x49: {  	_ =	shalt  }
0x4a: {  	_ =	shalt  }
0x4b: {  	_ =	shalt  }
0x4c: {  	_ =	shalt  }
0x4d: {  	_ =	shalt  }
0x4e: {  	_ =	shalt  }
0x4f: {  	_ =	shalt  }
0x50: {  	_ =	shalt  }
0x51: {  	_ =	shalt  }
0x52: {  	_ =	shalt  }
0x53: {  	_ =	shalt  }
0x54: {  	_ =	shalt  }
0x55: {  	_ =	shalt  }
0x56: {  	_ =	shalt  }
0x57: {  	_ =	shalt  }
0x58: {  	_ =	shalt  }
0x59: {  	_ =	shalt  }
0x5a: {  	_ =	shalt  }
0x5b: {  	_ =	shalt  }
0x5c: {  	_ =	shalt  }
0x5d: {  	_ =	shalt  }
0x5e: {  	_ =	shalt  }
0x5f: {  	_ =	shalt  }
0x60: {  	_ =	shalt  }
0x61: {  	_ =	shalt  }
0x62: {  	_ =	shalt  }
0x63: {  	_ =	shalt  }
0x64: {  	_ =	shalt  }
0x65: {  	_ =	shalt  }
0x66: {  	_ =	shalt  }
0x67: {  	_ =	shalt  }
0x68: {  	_ =	shalt  }
0x69: {  	_ =	shalt  }
0x6a: {  	_ =	shalt  }
0x6b: {  	_ =	shalt  }
0x6c: {  	_ =	shalt  }
0x6d: {  	_ =	shalt  }
0x6e: {  	_ =	shalt  }
0x6f: {  	_ =	shalt  }
0x70: {  	_ =	shalt  }
0x71: {  	_ =	shalt  }
0x72: {  	_ =	shalt  }
0x73: {  	_ =	shalt  }
0x74: {  	_ =	shalt  }
0x75: {  	_ =	shalt  }
0x76: {  	_ =	shalt  }
0x77: {  	_ =	shalt  }
0x78: {  	_ =	shalt  }
0x79: {  	_ =	shalt  }
0x7a: {  	_ =	shalt  }
0x7b: {  	_ =	shalt  }
0x7c: {  	_ =	shalt  }
0x7d: {  	_ =	shalt  }
0x7e: {  	_ =	shalt  }
0x7f: {  	_ =	shalt  }
0x80: {  	_ =	shalt  }
0x81: {  	_ =	shalt  }
0x82: {  	_ =	shalt  }
0x83: {  	_ =	shalt  }
0x84: {  	_ =	shalt  }
0x85: {  	_ =	shalt  }
0x86: {  	_ =	shalt  }
0x87: {  	_ =	shalt  }
.Lfunc_end0:
.L_simem_size_0:
called_computation_lowered:
.L_overlay_start_0:
0x88: {  	s2 =	sld [smem:$0x3FD9]  }
0x89: {  	s3 =	sld [smem:$0x3FFE];
	_ =	sdelay $0x1  }
0x8a: {  	s1 =	srdreg.scid  }
0x8b: {  	s0 =	sand.u32 $0x1, s1  }
0x8c: {  	s16 =	sshll.u32 s0, $0xA;
	s2 =	sadd.s32 s3, s2  }
0x8d: {  	s2 =	sadd.s32 s2, s16  }
0x8e: {  	[smem:$0x3FC3] =	sst s2  }
0x8f: {  	_ = 	snop  }
0x90: {  	(tm) =	ssettm $0x1  }
0x91: {  	s17 =	sld [smem:$0x3FFB];
	_ =	sdelay $0x3  }
0x92: {  	_ =	strace s17  }
0x93: {  	s2 =	sld [smem:$0x3FFC];
	_ =	sdelay $0x3  }
0x94: {  	_ =	strace s2  }
0x95: {  	s2 =	sld [smem:$0x3FFD];
	_ =	sdelay $0x3  }
0x96: {  	_ =	strace s2  }
0x97: {  	_ =	strace $0x8FFFFFFF  }
0x98: {  	s18 =	sld [smem:$0x3FDB];
	_ =	sdelay $0x1  }
0x99: {  	s19 =	simm.s32 $_scs_section_size  }
0x9a: {  	s4 =	simm.s32 $_size__tile_overlayer_lowered;
	s5 =	simm.s32 $_tile_overlayer_lowered  }
0x9b: {  	s22 =	simm.s32 $0x1BFF;
	s21 =	sshll.u32 s5, $0x1;
	s2 =	sadd.s32 s19, s18  }
0x9c: {  	s6 =	simm.s32 $0x0;
	s20 =	sshll.u32 s4, $0x1;
	s4 =	sadd.s32 s21, s2  }
0x9d: {  	[timem:s6], [sflag:s22] =	dma.local [hbm:s4], s20  }
0x9e: {  	_ =	swait.ge [sflag:s22], s20  }
0x9f: {  	s3 =	ssub.s32 $0x0, s20;
	[sflag:s22] =	ssyncset.done $0x0  }
0xa0: {  	[sflag:s22] =	ssyncadd.s32 s3;
	_ =	sdelay $0x1  }
0xa1: {  	s23 =	simm.s32 $0x1B8B  }
0xa2: {  	_ =	swait.ge [sflag:s23], $0x1  }
0xa3: {  	[sflag:s23] =	ssyncset.done $0x0  }
0xa4: {  	s25 =	simm.s32 $0x1B8E;
	s24 =	sld [smem:$0x3FFE];
	[sflag:s23] =	ssyncadd.s32 $0xFFFFFFFF  }
0xa5: {  	s26 =	simm.s32 $execute0_lowered;
	[smem:$0x3FD2] =	sst s25  }
0xa6: {  	s4 =	sshll.u32 s26, $0x1;
	_ =	strace $0x80000046;
	[dreg:$0x1] =	wrdreg $0xFFFFFFFF  }
0xa7: {  	s28 =	simm.s32 $_size_execute0_lowered;
	s2 =	sadd.s32 s2, s4;
	[dreg:$0x0] =	wrdreg $0x0  }
0xa8: {  	s4 =	sshll.u32 s28, $0x1;
	[dreg:$0x2] =	wrdreg s2  }
0xa9: {  	[dreg:$0x3] =	wrdreg s4  }
0xaa: {  	[dreg:$0x4] =	wrdreg $0xC0  }
0xab: {  	_ =	task [dreg:s6], $0x5FFFF  }
0xac: {  	[dreg:$0x1] =	wrdreg $0xFFFFFFFF  }
0xad: {  	[dreg:$0x0] =	wrdreg $0x60  }
0xae: {  	[dreg:$0x2] =	wrdreg s24  }
0xaf: {  	[dreg:$0x3] =	wrdreg $0x9A000  }
0xb0: {  	[dreg:$0x4] =	wrdreg $0x9  }
0xb1: {  	_ =	task.clear_ibuf [dreg:s6], $0x5FFFF;
	_ =	strace $0x90000046  }
0xb2: {  	s29 =	simm.s32 $0x9;
	_ =	strace $0x80000048  }
0xb3: {  	_ =	swait.ge [sflag:s29], $0x1  }
0xb4: {  	[sflag:s29] =	ssyncadd.s32 $0xFFFFFFFF  }
0xb5: {  	_ =	strace $0x90000048  }
0xb6: {  	_ =	sfence  }
0xb7: {  	s30 =	sld [smem:$0x0];
	_ =	sdelay $0x2  }
0xb8: {  	s31 =	sshll.u32 s1, $0xD;
	s1 =	sshrl.u32 s1, $0x2  }
0xb9: {  	s3 =	sand.u32 $0x4000, s31;
	s1 =	sadd.s32 s1, s30  }
0xba: {  	s0 =	sor.u32 s3, s0;
	s1 =	sshll.u32 s1, $0x11  }
0xbb: {  	s0 =	sor.u32 s1, s0  }
0xbc: {  	s0 =	sadd.s32 $0x8F2B, s0  }
0xbd: {  	[sflag:s0] =	ssyncadd.remote.s32 $0x1  }
0xbe: {  	_ =	sfence.sel $0xFFFF  }
0xbf: {  	[dreg:$0x0] =	wrdreg $0xFFFFFFFF;
	(pc) =	sbr.abs _section_cstart, $3  }
0xc0: {  	[dreg:$0x1] =	wrdreg $0xFFFFFFFF  }
0xc1: {  	_ =	task.clear_ibuf [dreg:s6], $0x2FFFF;
	_ =	strace $0x9FFFFFFF  }
0xc2: {  	(tm) =	ssettm $0x7FFFFFFF  }
0xc3: {  	_ =	shalt  }
tec
execute0_lowered:
.L_overlay_start_1:
0x0: {  	(tag) =	ssettag $0x1  }
0x1: {  	s4 =	rddreg [dreg:$0x0]  }
0x2: {  	s1 =	rddreg [dreg:$0x1];
	s2 =	srdreg.scid  }
0x3: {  	s0 =	rddreg [dreg:$0x2];
	s3 =	simm.s32 $0x0;
	s13 =	simm.s32 $0x1  }
0x4: {  	s14 =	simm.s32 $0x8200;
	s15 =	simm.s32 $0x4;
	s16 =	simm.s32 $0x2  }
0x5: {  	s17 =	simm.s32 $0x80;
	s18 =	simm.s32 $0x100;
	s19 =	simm.s32 $0x3  }
0x6: {  	v0 =	vlaneseq.u32;
	s21 =	simm.s32 $0x9200;
	s24 =	simm.s32 $0x0;
	s7 =	sand.u32 $0x1, s2  }
0x7: {  	s2 =	stileid.u32;
	[smem:$0x7FF] =	sst s3;
	v5 =	vmul.u32 $0x2, v0;
	s5 =	sshll.u32 s7, $0x4  }
0x8: {  	_ =	strace $0x80000047;
	s8 =	sshll.u32 s2, $0x5;
	s20 =	sxor.u32 $0x1, s7  }
0x9: {  	s9 =	sshll.u32 s2, $0xC;
	s10 =	sshll.u32 s7, $0x10;
	s11 =	ssub.s32 $0x2, s7;
	v1 =	vor.u32 $0x20, v5;
	v0 =	vor.u32 s20, v5;
	v2 =	vor.u32 $0x40, v5  }
0xa: {  	s22 =	sshll.u32 s2, $0x6;
	s5 =	sor.u32 s2, s5;
	s8 =	sadd.s32 s8, s4;
	v3 =	vor.u32 $0x60, v5;
	v4 =	vor.u32 $0x80, v5;
	v6 =	vor.u32 $0xA0, v5  }
0xb: {  	s10 =	sor.u32 s9, s10;
	s31 =	sshrl.u32 s11, $0x1;
	s7 =	sadd.s32 s9, s1;
	v7 =	vor.u32 $0xC0, v5;
	v8 =	vor.u32 $0xE0, v5;
	v1 =	vor.u32 s20, v1  }
0xc: {  	s22 =	sor.u32 $0x1C04, s22;
	s6 =	sshll.u32 s5, $0xB;
	s10 =	sshrl.u32 s10, $0x3;
	v2 =	vor.u32 s20, v2;
	v3 =	vor.u32 s20, v3;
	v4 =	vor.u32 s20, v4  }
0xd: {  	s5 =	sshll.u32 s5, $0x8;
	s11 =	ssub.s32 s11, s31;
	v5 =	vor.u32 s20, v6;
	v6 =	vor.u32 s20, v7;
	v7 =	vor.u32 s20, v8;
	s20 =	simm.s32 $0x180  }
0xe: {  	s23 =	sshrl.u32 s7, $0x3;
	s6 =	sadd.s32 s6, s4;
	s10 =	sadd.s32 s10, s4  }
0xf: {  	s12 =	sadd.s32 s5, s4;
	s4 =	sadd.s32 $0x1400, s8;
	s5 =	sadd.s32 $0x1600, s6  }
0x10: {  	s6 =	sadd.s32 $0x11600, s6;
	s8 =	sadd.s32 $0x25600, s12;
	s9 =	sadd.s32 $0x21600, s10  }
0x11: {  	v9 =	vimm.s32 $0x0;
	v10 =	vimm.f32 $1.000000000e+00;
	v8 =	vimm.f32 $0.0e+00;
	s10 =	smax.u32 s11, $0x1;
	s11 =	simm.s32 $0x200;
	s12 =	simm.s32 $0x4200  }
.LBB2_1:
0x12: {  	[tilespmem:s3], [sflag:$0x1] =	stream.linear.gather [hbm4b:s4+s3], $0x100, $0x38;
	[tilespmem:$0xAA00] =	vst v63  }
0x13: {  	_ = 	snop  }
0x14: {  	[tilespmem:s11], [sflag:$0x2] =	stream.linear.gather [hbm4b:s5+s3], $0x4000, $0x38;
	[tilespmem:$0xAA00] =	vst v63  }
0x15: {  	s25 =	simm.s32 $0x0;
	s26 =	simm.s32 $0x200  }
0x16: {  	[tilespmem:s12], [sflag:$0x3] =	stream.linear.gather [hbm4b:s6+s3], $0x4000, $0x38;
	[tilespmem:$0xAA00] =	vst v63  }
.LBB2_2:
0x17: {  	p0 =	sne.s32 s26, $0x3E00;
	[tilespmem:s25+$0x8270] =	vst v8  }
0x18: {  	[tilespmem:s25+$0x8200] =	vst v8  }
0x19: {  	[tilespmem:s25+$0x8210] =	vst v8  }
.Ltmp0:
0x1a: {  	[tilespmem:s25+$0x8220] =	vst v8;
	(pc) =	sbr.rel @p0 .LBB2_2-.Ltmp0, $4  }
0x1b: {  	[tilespmem:s25+$0x8230] =	vst v8  }
0x1c: {  	[tilespmem:s25+$0x8240] =	vst v8  }
0x1d: {  	[tilespmem:s25+$0x8250] =	vst v8  }
0x1e: {  	[tilespmem:s25+$0x8260] =	vst v8;
	s25 =	sshra.s32 s26, $0x2;
	s26 =	sadd.s32 $0x200, s26  }
0x1f: {  	[tilespmem:s25+$0x8270] =	vst v8  }
0x20: {  	[tilespmem:s25+$0x8200] =	vst v8  }
0x21: {  	[tilespmem:s25+$0x8210] =	vst v8  }
0x22: {  	[tilespmem:s25+$0x8220] =	vst v8  }
0x23: {  	[tilespmem:s25+$0x8230] =	vst v8  }
0x24: {  	[tilespmem:s25+$0x8240] =	vst v8  }
0x25: {  	[tilespmem:s25+$0x8250] =	vst v8  }
0x26: {  	[tilespmem:s25+$0x8260] =	vst v8  }
0x27: {  	[tilespmem:$0x9200] =	vst v8  }
0x28: {  	[tilespmem:$0x9210] =	vst v8  }
0x29: {  	[tilespmem:$0x9220] =	vst v8  }
0x2a: {  	[tilespmem:$0x9230] =	vst v8  }
0x2b: {  	[tilespmem:$0x9240] =	vst v8  }
0x2c: {  	[tilespmem:$0x9250] =	vst v8  }
0x2d: {  	[tilespmem:$0x9260] =	vst v8  }
0x2e: {  	[tilespmem:$0x9270] =	vst v8  }
0x2f: {  	[tilespmem:$0x9600] =	vst v8  }
0x30: {  	[tilespmem:$0x9610] =	vst v8  }
0x31: {  	[tilespmem:$0x9620] =	vst v8  }
0x32: {  	[tilespmem:$0x9630] =	vst v8  }
0x33: {  	[tilespmem:$0x9640] =	vst v8  }
0x34: {  	[tilespmem:$0x9650] =	vst v8  }
0x35: {  	[tilespmem:$0x9660] =	vst v8  }
0x36: {  	[tilespmem:$0x9670] =	vst v8  }
0x37: {  	_ =	swait.ge [sflag:s13], $0x100  }
0x38: {  	[sflag:s13] =	ssyncset.done $0x0  }
0x39: {  	[sflag:s13] =	ssyncadd.s32 $0xFFFFFF00  }
0x3a: {  	v11 =	vld.idx.msk [tilespmem:v0+s3+$0x0], $0xffff;
	_ =	sdelay $0x4  }
0x3b: {  	[tilespmem:$0x100] =	vst v11;
	v11 =	vadd.s32 $0x100, v11  }
0x3c: {  	[tilespmem:$0x180] =	vst v11  }
0x3d: {  	v11 =	vld.idx.msk [tilespmem:v1+s3+$0x0], $0xffff;
	_ =	sdelay $0x4  }
0x3e: {  	[tilespmem:$0x110] =	vst v11;
	v11 =	vadd.s32 $0x100, v11  }
0x3f: {  	[tilespmem:$0x190] =	vst v11  }
0x40: {  	v11 =	vld.idx.msk [tilespmem:v2+s3+$0x0], $0xffff;
	_ =	sdelay $0x4  }
0x41: {  	[tilespmem:$0x120] =	vst v11;
	v11 =	vadd.s32 $0x100, v11  }
0x42: {  	[tilespmem:$0x1A0] =	vst v11  }
0x43: {  	v11 =	vld.idx.msk [tilespmem:v3+s3+$0x0], $0xffff;
	_ =	sdelay $0x4  }
0x44: {  	[tilespmem:$0x130] =	vst v11;
	v11 =	vadd.s32 $0x100, v11  }
0x45: {  	[tilespmem:$0x1B0] =	vst v11  }
0x46: {  	v11 =	vld.idx.msk [tilespmem:v4+s3+$0x0], $0xffff;
	_ =	sdelay $0x4  }
0x47: {  	[tilespmem:$0x140] =	vst v11;
	v11 =	vadd.s32 $0x100, v11  }
0x48: {  	[tilespmem:$0x1C0] =	vst v11  }
0x49: {  	v11 =	vld.idx.msk [tilespmem:v5+s3+$0x0], $0xffff;
	_ =	sdelay $0x4  }
0x4a: {  	[tilespmem:$0x150] =	vst v11;
	v11 =	vadd.s32 $0x100, v11  }
0x4b: {  	[tilespmem:$0x1D0] =	vst v11  }
0x4c: {  	v11 =	vld.idx.msk [tilespmem:v6+s3+$0x0], $0xffff;
	_ =	sdelay $0x4  }
0x4d: {  	[tilespmem:$0x160] =	vst v11;
	v11 =	vadd.s32 $0x100, v11  }
0x4e: {  	[tilespmem:$0x1E0] =	vst v11  }
0x4f: {  	v11 =	vld.idx.msk [tilespmem:v7+s3+$0x0], $0xffff;
	_ =	sdelay $0x4  }
0x50: {  	[tilespmem:$0x170] =	vst v11;
	v11 =	vadd.s32 $0x100, v11  }
0x51: {  	[tilespmem:$0x1F0] =	vst v11  }
0x52: {  	[spmem:s7] =	stream.linear.scatter [tilespmem:s14], [sflag:$0x4], $0x1000, $0x38;
	[tilespmem:$0xAA00] =	vst v63  }
0x53: {  	_ =	swait.ge [sflag:s15], $0x1000  }
0x54: {  	[sflag:s15] =	ssyncset.done $0x0  }
0x55: {  	[sflag:s15] =	ssyncadd.s32 $0xFFFFF000  }
0x56: {  	[bflag:$0x0] =	sbarrier.arrive $0xFFFF  }
0x57: {  	_ =	swait.ge [sflag:s16], $0x4000  }
0x58: {  	[sflag:s16] =	ssyncset.done $0x0  }
0x59: {  	[sflag:s16] =	ssyncadd.s32 $0xFFFFC000  }
0x5a: {  	[spmem:s1] =	stream.indirect.scatter.add.f32 [tilespmem:s11], [sflag:$0x4], $0x80, s18, s17, $0xb8;
	[tilespmem:$0xAA00] =	vst v63  }
0x5b: {  	_ =	swait.ge [sflag:s15], $0x4000  }
0x5c: {  	[sflag:s15] =	ssyncset.done $0x0  }
0x5d: {  	[sflag:s15] =	ssyncadd.s32 $0xFFFFC000  }
0x5e: {  	_ =	swait.ge [sflag:s19], $0x4000  }
0x5f: {  	[sflag:s19] =	ssyncset.done $0x0  }
0x60: {  	[sflag:s19] =	ssyncadd.s32 $0xFFFFC000  }
0x61: {  	[spmem:s1] =	stream.indirect.scatter.add.f32 [tilespmem:s12], [sflag:$0x4], $0x80, s20, s17, $0xb8;
	[tilespmem:$0xAA00] =	vst v63  }
0x62: {  	_ =	swait.ge [sflag:s15], $0x4000  }
0x63: {  	[sflag:s15] =	ssyncset.done $0x0  }
0x64: {  	[sflag:s15] =	ssyncadd.s32 $0xFFFFC000  }
0x65: {  	v11 =	vld [tilespmem:$0x100];
	_ =	sdelay $0x4  }
0x66: {  	v12 =	vshra.s32 v11, $0x1F  }
0x67: {  	v12 =	vshrl.u32 v12, $0x19  }
0x68: {  	v12 =	vadd.s32 v12, v11  }
0x69: {  	v12 =	vshra.s32 v12, $0x7  }
0x6a: {  	v13 =	vshll.u32 v12, $0x7  }
0x6b: {  	vm0 =	vlt.s32 v11, $0x1;
	vm1 =	vne.s32 v11, v13  }
0x6c: {  	vm0 =	vmand vm0, vm1  }
0x6d: {  	v14 =	vsel vm0, $0xFFFFFFFF, v9  }
0x6e: {  	v13 =	vsub.s32 v11, v13;
	v12 =	vadd.s32 v14, v12  }
0x6f: {  	v13 =	vand.u32 $0xFFFFFFF8, v13;
	v12 =	vshll.u32 v12, $0xA  }
0x70: {  	v11 =	vand.u32 $0x7, v11;
	v12 =	vadd.s32 v13, v12  }
0x71: {  	v11 =	vor.u32 v11, v12;
	_ =	sdelay $0x4  }
0x72: {  	[tilespmem:v11+s21+$0x0] =	vst.idx.add.f32.msk $0xffff, v10  }
0x73: {  	v11 =	vld [tilespmem:$0x110];
	_ =	sdelay $0x4  }
0x74: {  	v43 =	vshra.s32 v11, $0x1F  }
0x75: {  	v12 =	vshrl.u32 v43, $0x19  }
0x76: {  	v12 =	vadd.s32 v12, v11  }
0x77: {  	v44 =	vand.u32 $0xFFFFFF80, v12  }
0x78: {  	vm14 =	vlt.s32 v11, $0x1;
	vm15 =	vne.s32 v11, v44  }
0x79: {  	vm0 =	vmand vm14, vm15  }
0x7a: {  	v12 =	vshrl.u32 v12, $0x7;
	v45 =	vsel vm0, $0xFFFFFFFF, v9  }
0x7b: {  	v13 =	vsub.s32 v11, v44;
	v12 =	vadd.s32 v45, v12  }
0x7c: {  	v13 =	vand.u32 $0xFFFFFFF8, v13;
	v12 =	vshll.u32 v12, $0xA  }
0x7d: {  	v11 =	vand.u32 $0x7, v11;
	v12 =	vadd.s32 v13, v12  }
0x7e: {  	v11 =	vor.u32 v11, v12;
	_ =	sdelay $0x4  }
0x7f: {  	[tilespmem:v11+s21+$0x0] =	vst.idx.add.f32.msk $0xffff, v10  }
0x80: {  	v11 =	vld [tilespmem:$0x120];
	_ =	sdelay $0x4  }
0x81: {  	v46 =	vshra.s32 v11, $0x1F  }
0x82: {  	v12 =	vshrl.u32 v46, $0x19  }
0x83: {  	v12 =	vadd.s32 v12, v11  }
0x84: {  	v47 =	vand.u32 $0xFFFFFF80, v12  }
0x85: {  	vm4 =	vlt.s32 v11, $0x1;
	vm5 =	vne.s32 v11, v47  }
0x86: {  	vm0 =	vmand vm4, vm5  }
0x87: {  	v12 =	vshrl.u32 v12, $0x7;
	v48 =	vsel vm0, $0xFFFFFFFF, v9  }
0x88: {  	v13 =	vsub.s32 v11, v47;
	v12 =	vadd.s32 v48, v12  }
0x89: {  	v13 =	vand.u32 $0xFFFFFFF8, v13;
	v12 =	vshll.u32 v12, $0xA  }
0x8a: {  	v11 =	vand.u32 $0x7, v11;
	v12 =	vadd.s32 v13, v12  }
0x8b: {  	v11 =	vor.u32 v11, v12;
	_ =	sdelay $0x4  }
0x8c: {  	[tilespmem:v11+s21+$0x0] =	vst.idx.add.f32.msk $0xffff, v10  }
0x8d: {  	v11 =	vld [tilespmem:$0x130];
	_ =	sdelay $0x4  }
0x8e: {  	v49 =	vshra.s32 v11, $0x1F  }
0x8f: {  	v12 =	vshrl.u32 v49, $0x19  }
0x90: {  	v12 =	vadd.s32 v12, v11  }
0x91: {  	v50 =	vand.u32 $0xFFFFFF80, v12  }
0x92: {  	vm6 =	vlt.s32 v11, $0x1;
	vm7 =	vne.s32 v11, v50  }
0x93: {  	vm0 =	vmand vm6, vm7  }
0x94: {  	v12 =	vshrl.u32 v12, $0x7;
	v51 =	vsel vm0, $0xFFFFFFFF, v9  }
0x95: {  	v13 =	vsub.s32 v11, v50;
	v12 =	vadd.s32 v51, v12  }
0x96: {  	v13 =	vand.u32 $0xFFFFFFF8, v13;
	v12 =	vshll.u32 v12, $0xA  }
0x97: {  	v11 =	vand.u32 $0x7, v11;
	v12 =	vadd.s32 v13, v12  }
0x98: {  	v11 =	vor.u32 v11, v12;
	_ =	sdelay $0x4  }
0x99: {  	[tilespmem:v11+s21+$0x0] =	vst.idx.add.f32.msk $0xffff, v10  }
0x9a: {  	v11 =	vld [tilespmem:$0x140];
	_ =	sdelay $0x4  }
0x9b: {  	v52 =	vshra.s32 v11, $0x1F  }
0x9c: {  	v12 =	vshrl.u32 v52, $0x19  }
0x9d: {  	v12 =	vadd.s32 v12, v11  }
0x9e: {  	v53 =	vand.u32 $0xFFFFFF80, v12  }
0x9f: {  	vm8 =	vlt.s32 v11, $0x1;
	vm9 =	vne.s32 v11, v53  }
0xa0: {  	vm0 =	vmand vm8, vm9  }
0xa1: {  	v12 =	vshrl.u32 v12, $0x7;
	v54 =	vsel vm0, $0xFFFFFFFF, v9  }
0xa2: {  	v13 =	vsub.s32 v11, v53;
	v12 =	vadd.s32 v54, v12  }
0xa3: {  	v13 =	vand.u32 $0xFFFFFFF8, v13;
	v12 =	vshll.u32 v12, $0xA  }
0xa4: {  	v11 =	vand.u32 $0x7, v11;
	v12 =	vadd.s32 v13, v12  }
0xa5: {  	v11 =	vor.u32 v11, v12;
	_ =	sdelay $0x4  }
0xa6: {  	[tilespmem:v11+s21+$0x0] =	vst.idx.add.f32.msk $0xffff, v10  }
0xa7: {  	v11 =	vld [tilespmem:$0x150];
	_ =	sdelay $0x4  }
0xa8: {  	v55 =	vshra.s32 v11, $0x1F  }
0xa9: {  	v12 =	vshrl.u32 v55, $0x19  }
0xaa: {  	v12 =	vadd.s32 v12, v11  }
0xab: {  	v56 =	vand.u32 $0xFFFFFF80, v12  }
0xac: {  	vm10 =	vlt.s32 v11, $0x1;
	vm11 =	vne.s32 v11, v56  }
0xad: {  	vm0 =	vmand vm10, vm11  }
0xae: {  	v12 =	vshrl.u32 v12, $0x7;
	v57 =	vsel vm0, $0xFFFFFFFF, v9  }
0xaf: {  	v13 =	vsub.s32 v11, v56;
	v12 =	vadd.s32 v57, v12  }
0xb0: {  	v13 =	vand.u32 $0xFFFFFFF8, v13;
	v12 =	vshll.u32 v12, $0xA  }
0xb1: {  	v11 =	vand.u32 $0x7, v11;
	v12 =	vadd.s32 v13, v12  }
0xb2: {  	v11 =	vor.u32 v11, v12;
	_ =	sdelay $0x4  }
0xb3: {  	[tilespmem:v11+s21+$0x0] =	vst.idx.add.f32.msk $0xffff, v10  }
0xb4: {  	v11 =	vld [tilespmem:$0x160];
	_ =	sdelay $0x4  }
0xb5: {  	v58 =	vshra.s32 v11, $0x1F  }
0xb6: {  	v12 =	vshrl.u32 v58, $0x19  }
0xb7: {  	v12 =	vadd.s32 v12, v11  }
0xb8: {  	v59 =	vand.u32 $0xFFFFFF80, v12  }
0xb9: {  	vm12 =	vlt.s32 v11, $0x1;
	vm13 =	vne.s32 v11, v59  }
0xba: {  	vm0 =	vmand vm12, vm13  }
0xbb: {  	v12 =	vshrl.u32 v12, $0x7;
	v60 =	vsel vm0, $0xFFFFFFFF, v9  }
0xbc: {  	v13 =	vsub.s32 v11, v59;
	v12 =	vadd.s32 v60, v12  }
0xbd: {  	v13 =	vand.u32 $0xFFFFFFF8, v13;
	v12 =	vshll.u32 v12, $0xA  }
0xbe: {  	v11 =	vand.u32 $0x7, v11;
	v12 =	vadd.s32 v13, v12  }
0xbf: {  	v11 =	vor.u32 v11, v12;
	_ =	sdelay $0x4  }
0xc0: {  	[tilespmem:v11+s21+$0x0] =	vst.idx.add.f32.msk $0xffff, v10  }
0xc1: {  	v11 =	vld [tilespmem:$0x170];
	_ =	sdelay $0x4  }
0xc2: {  	v61 =	vshra.s32 v11, $0x1F  }
0xc3: {  	v12 =	vshrl.u32 v61, $0x19  }
0xc4: {  	v12 =	vadd.s32 v12, v11  }
0xc5: {  	v62 =	vand.u32 $0xFFFFFF80, v12  }
0xc6: {  	vm14 =	vlt.s32 v11, $0x1;
	vm15 =	vne.s32 v11, v62  }
0xc7: {  	vm0 =	vmand vm14, vm15  }
0xc8: {  	v12 =	vshrl.u32 v12, $0x7;
	v63 =	vsel vm0, $0xFFFFFFFF, v9  }
0xc9: {  	v13 =	vsub.s32 v11, v62;
	v12 =	vadd.s32 v63, v12  }
0xca: {  	v13 =	vand.u32 $0xFFFFFFF8, v13;
	v12 =	vshll.u32 v12, $0xA  }
0xcb: {  	v11 =	vand.u32 $0x7, v11;
	v12 =	vadd.s32 v13, v12  }
0xcc: {  	v11 =	vor.u32 v11, v12;
	_ =	sdelay $0x4  }
0xcd: {  	[tilespmem:v11+s21+$0x0] =	vst.idx.add.f32.msk $0xffff, v10  }
0xce: {  	[hbm4b:s8+s3] =	stream.linear.scatter [tilespmem:s21], [sflag:$0x4], $0x800, $0x38;
	[tilespmem:$0xAA00] =	vst v63  }
0xcf: {  	_ =	swait.ge [sflag:s15], $0x800  }
0xd0: {  	s24 =	sadd.s32 $0x1, s24;
	[sflag:s15] =	ssyncset.done $0x0  }
0xd1: {  	p0 =	sne.s32 s24, s10;
	[sflag:s15] =	ssyncadd.s32 $0xFFFFF800  }
.Ltmp1:
0xd2: {  	[bflag:$0x0] =	sbarrier.arrive $0xFFFF;
	(pc) =	sbr.rel @p0 .LBB2_1-.Ltmp1, $4  }
0xd3: {  	[hbm:s9], [sflag:s22] =	dma.local [spmem:s23], $0x200  }
0xd4: {  	_ =	swait.ge [sflag:s15], $0x200  }
0xd5: {  	[sflag:s15] =	ssyncset.done $0x0  }
0xd6: {  	[sflag:s15] =	ssyncadd.s32 $0xFFFFFE00  }
0xd7: {  	_ =	sfence.sel $0x180000  }
0xd8: {  	[bflag:$0x0] =	sbarrier.arrive $0xFFFF  }
0xd9: {  	p0 =	sne.s32 s2, $0x0;
	_ =	strace $0x90000047  }
0xda: {  	s0 =	sadd.s32 @!p0 $0x100000, s0;
	[bflag:$0x2] =	sbarrier.arrive $0xFFFF  }
0xdb: {  	[sflag:s0] =	ssyncadd.tile.s32 @!p0 $0x1;
	_ =	shalt  }
.Lfunc_end2:
_tile_overlayer_lowered:
.L_overlay_start_2:
0xdc: {  	(tag) =	ssettag $0x2  }
0xdd: {  	s0 =	rddreg [dreg:$0x0];
	s2 =	stileid.u32  }
0xde: {  	s1 =	rddreg [dreg:$0x1];
	p0 =	sne.s32 s2, $0x0  }
0xdf: {  	s3 =	rddreg [dreg:$0x2];
	[bflag:$0x3] =	sbarrier.arrive $0xFFFF;
	s2 =	simm.s32 @!p0 $0x1C04  }
0xe0: {  	[timem:s3], [sflag:s2] =	dma.local @!p0 [hbm:s0], s1  }
0xe1: {  	s0 =	simm.s32 @!p0 $0x4  }
0xe2: {  	_ =	swait.ge @!p0 [sflag:s0], s1  }
0xe3: {  	s1 =	ssub.s32 @!p0 $0x0, s1;
	[sflag:s0] =	ssyncset.done @!p0 $0x0  }
0xe4: {  	[sflag:s0] =	ssyncadd.s32 @!p0 s1  }
0xe5: {  	[bflag:$0x3] =	sbarrier.arrive $0xFFFF  }
0xe6: {  	_ =	shalt  }

</sc_bundles>
